<compile_context>
chip_gen: v7x
topology: tpu7x:2x2x1
jax: 0.10.2.dev20260603
libtpu: 0.0.44.dev20260713+nightly
codegen_flags: <defaults>
</compile_context>

<pallas_src>
import functools

import jax
import jax.numpy as jnp
from jax import lax
from jax.experimental import pallas as pl
from jax.experimental.pallas import tpu as pltpu
from jax.experimental.pallas import tpu_sc as plsc

HIDDEN = 4096
NUM_CORES = 2
NUM_SUBCORES = 16
NUM_WORKERS = NUM_CORES * NUM_SUBCORES
CHUNK = 8


def _build(num_rows, batch):
    rows_per_w = num_rows // NUM_WORKERS
    nchunk = rows_per_w // CHUNK
    s_per_w = rows_per_w // batch
    seq = num_rows // batch
    mesh = plsc.VectorSubcoreMesh(core_axis_name="c", subcore_axis_name="s")

    @functools.partial(
        pl.kernel,
        mesh=mesh,
        out_type=jax.ShapeDtypeStruct((seq, batch, HIDDEN), jnp.float32),
        scratch_types=[
            pltpu.VMEM((rows_per_w,), jnp.int32),
            pltpu.VMEM((rows_per_w,), jnp.int32),
            pltpu.VMEM((3, CHUNK, HIDDEN), jnp.float32),
            pltpu.SemaphoreType.DMA,
            pltpu.SemaphoreType.DMA,
        ],
    )
    def gather_kernel(ids_hbm, table_hbm, out3_hbm, idx_bs, idx_v, bufs, gsem, wsem):
        out_hbm = out3_hbm.reshape(num_rows, HIDDEN)
        wid = lax.axis_index("s") * NUM_CORES + lax.axis_index("c")
        base = wid * rows_per_w
        s0 = wid * s_per_w

        for bb in range(batch):
            pltpu.async_copy(
                ids_hbm.at[bb, pl.ds(s0, s_per_w)],
                idx_bs.at[pl.ds(bb * s_per_w, s_per_w)],
                wsem,
            )
        for bb in range(batch):
            pltpu.make_async_copy(
                ids_hbm.at[bb, pl.ds(s0, s_per_w)],
                idx_bs.at[pl.ds(bb * s_per_w, s_per_w)],
                wsem,
            ).wait()
        lane = lax.iota(jnp.int32, 16)
        sub = lane >> 2
        bsel = lane & (batch - 1)
        for v4 in range(s_per_w // 16):
            xs = [
                idx_bs[pl.ds(b * s_per_w + 16 * v4, 16)] for b in range(batch)
            ]
            for t in range(4):
                pos = 4 * t + sub
                dnums = lax.GatherDimensionNumbers(
                    offset_dims=(), collapsed_slice_dims=(0,),
                    start_index_map=(0,),
                )
                ys = [
                    lax.gather(
                        x, pos[:, None], dnums, (1,),
                        mode=lax.GatherScatterMode.PROMISE_IN_BOUNDS,
                    )
                    for x in xs
                ]
                tgt = ys[0]
                for b in range(1, batch):
                    tgt = jnp.where(bsel == b, ys[b], tgt)
                idx_v[pl.ds(64 * v4 + 16 * t, 16)] = tgt
            if v4 == 0:
                pltpu.async_copy(
                    table_hbm.at[idx_v.at[pl.ds(0, CHUNK)]], bufs.at[0], gsem
                )
                pltpu.async_copy(
                    table_hbm.at[idx_v.at[pl.ds(CHUNK, CHUNK)]], bufs.at[1], gsem
                )

        def start_gather(c, b):
            pltpu.async_copy(
                table_hbm.at[idx_v.at[pl.ds(c * CHUNK, CHUNK)]], bufs.at[b], gsem
            )

        def wait_gather(c, b):
            pltpu.make_async_copy(
                table_hbm.at[idx_v.at[pl.ds(c * CHUNK, CHUNK)]], bufs.at[b], gsem
            ).wait()

        def start_write(c, b):
            pltpu.async_copy(
                bufs.at[b], out_hbm.at[pl.ds(base + c * CHUNK, CHUNK)], wsem
            )

        def wait_write(c, b):
            pltpu.make_async_copy(
                bufs.at[b], out_hbm.at[pl.ds(base + c * CHUNK, CHUNK)], wsem
            ).wait()

        wait_gather(0, 0)
        start_write(0, 0)
        start_gather(2, 2)

        def body(i, carry):
            c0 = 1 + i * 3
            for b in range(3):
                c = c0 + b
                slot = (1 + b) % 3
                wait_gather(c, slot)
                start_write(c, slot)
                wait_write(c - 1, b)
                start_gather(c + 2, b)
            return carry

        lax.fori_loop(0, (nchunk - 5) // 3, body, 0)

        for c in (nchunk - 4, nchunk - 3):
            wait_gather(c, c % 3)
            start_write(c, c % 3)
            wait_write(c - 1, (c - 1) % 3)
            start_gather(c + 2, (c + 2) % 3)
        for c in (nchunk - 2, nchunk - 1):
            wait_gather(c, c % 3)
            start_write(c, c % 3)
            wait_write(c - 1, (c - 1) % 3)
        wait_write(nchunk - 1, (nchunk - 1) % 3)

    return gather_kernel


def kernel(input_ids, word_embeddings):
    b, s = input_ids.shape
    return _build(b * s, b)(input_ids.astype(jnp.int32), word_embeddings)

# --- scband reference (transcript-rebuilt; emitter-appended) ---
"""Pipeline reference for scband-embedding-403726925953 (READ-ONLY COPY).

The authoritative reference and input builder live on the scoring server;
editing this copy changes nothing except your own understanding.
"""

import jax, jax.numpy as jnp
import numpy as np

PADDED_VOCAB_SIZE = 65024
HIDDEN_SIZE = 4096
BATCH = 4
SEQ_LEN = 2048
FP32_RESIDUAL_CONNECTION = False


def setup_inputs(seed: int = 0) -> dict:
    key = jax.random.key(seed)
    k_ids, k_tab = jax.random.split(key)
    input_ids = jax.random.randint(k_ids, (BATCH, SEQ_LEN), 0, PADDED_VOCAB_SIZE, dtype=jnp.int64 if jax.config.jax_enable_x64 else jnp.int32)
    word_embeddings = jax.random.normal(k_tab, (PADDED_VOCAB_SIZE, HIDDEN_SIZE), dtype=jnp.float32) * 0.02
    return {"input_ids": input_ids, "word_embeddings": word_embeddings}


def reference(input_ids, word_embeddings):
    # words_embeddings = self.word_embeddings(input_ids)  -> gather rows
    words_embeddings = jnp.take(word_embeddings, input_ids, axis=0)  # [B, S, H]
    embeddings = words_embeddings
    # embeddings.transpose(0, 1) -> [S, B, H]
    embeddings = jnp.transpose(embeddings, (1, 0, 2))
    if FP32_RESIDUAL_CONNECTION:
        embeddings = embeddings.astype(jnp.float32)
    return embeddings

if __name__ == "__main__":
    import jax
    _d = setup_inputs()
    print(jax.jit(kernel)(*tuple(_d.values())))

</pallas_src>

<mosaic_0001>
#map = affine_map<(d0, d1) -> (0, 0)>
#map1 = affine_map<(d0, d1) -> (0, 0, 0)>
module attributes {stable_mosaic.version = 14 : i64} {
  func.func @gather_kernel(%arg0: i32, %arg1: i32, %arg2: memref<4x2048xi32, #tpu.memory_space<hbm>>, %arg3: memref<65024x4096xf32, #tpu.memory_space<hbm>>, %arg4: memref<2048x4x4096xf32, #tpu.memory_space<hbm>>, %arg5: memref<256xi32, #tpu.memory_space<vmem>>, %arg6: memref<256xi32, #tpu.memory_space<vmem>>, %arg7: memref<3x8x4096xf32, #tpu.memory_space<vmem>>, %arg8: memref<!tpu.dma_semaphore, #tpu.memory_space<semaphore_mem>>, %arg9: memref<!tpu.dma_semaphore, #tpu.memory_space<semaphore_mem>>) attributes {dimension_semantics = [#tpu.dimension_semantics<core_parallel>, #tpu.dimension_semantics<subcore_parallel>], iteration_bounds = array<i64: 2, 16>, scalar_prefetch = 0 : i64, scratch_operands = 5 : i64, tpu.core_type = #tpu.core_type<sc_vector_subcore>, window_params = [{transform_indices = #map}, {transform_indices = #map}, {transform_indices = #map1}]} {
    %mul3A = arith.constant 2 : i32
    %mul3A_0 = arith.muli %arg1, %mul3A : i32
    %add3A = arith.addi %mul3A_0, %arg0 : i32
    %mul3A_1 = arith.constant 256 : i32
    %mul3A_2 = arith.muli %add3A, %mul3A_1 : i32
    %mul3A_3 = arith.constant 64 : i32
    %mul3A_4 = arith.muli %add3A, %mul3A_3 : i32
    %dma_start3A = arith.constant 0 : i32
    %dma_start3A_5 = arith.constant 0 : i32
    %dma_start3A_6 = tpu.memref_slice %arg5[%dma_start3A_5] : memref<256xi32, #tpu.memory_space<vmem>> -> memref<64xi32, #tpu.memory_space<vmem>>
    %dma_start3A_7 = tpu.memref_slice %arg2[%dma_start3A, %mul3A_4] : memref<4x2048xi32, #tpu.memory_space<hbm>> -> memref<1x64xi32, #tpu.memory_space<hbm>>
    %dma_start3A_8 = tpu.memref_squeeze %dma_start3A_7 : memref<1x64xi32, #tpu.memory_space<hbm>> -> memref<64xi32, #tpu.memory_space<hbm>>
    %dma_start3A_9 = arith.constant 0 : i32
    %dma_start3A_10 = tpu.memref_slice %arg5[%dma_start3A_9] : memref<256xi32, #tpu.memory_space<vmem>> -> memref<64xi32, #tpu.memory_space<vmem>>
    %dma_start3A_11 = tpu.memref_slice %arg2[%dma_start3A, %mul3A_4] : memref<4x2048xi32, #tpu.memory_space<hbm>> -> memref<1x64xi32, #tpu.memory_space<hbm>>
    %dma_start3A_12 = tpu.memref_squeeze %dma_start3A_11 : memref<1x64xi32, #tpu.memory_space<hbm>> -> memref<64xi32, #tpu.memory_space<hbm>>
    tpu.enqueue_dma source(%dma_start3A_12 : memref<64xi32, #tpu.memory_space<hbm>>) target(%dma_start3A_10 : memref<64xi32, #tpu.memory_space<vmem>>) target_semaphore(%arg9 : memref<!tpu.dma_semaphore, #tpu.memory_space<semaphore_mem>>)
    %dma_start3A_13 = arith.constant 1 : i32
    %dma_start3A_14 = arith.constant 64 : i32
    %dma_start3A_15 = tpu.memref_slice %arg5[%dma_start3A_14] : memref<256xi32, #tpu.memory_space<vmem>> -> memref<64xi32, #tpu.memory_space<vmem>>
    %dma_start3A_16 = tpu.memref_slice %arg2[%dma_start3A_13, %mul3A_4] : memref<4x2048xi32, #tpu.memory_space<hbm>> -> memref<1x64xi32, #tpu.memory_space<hbm>>
    %dma_start3A_17 = tpu.memref_squeeze %dma_start3A_16 : memref<1x64xi32, #tpu.memory_space<hbm>> -> memref<64xi32, #tpu.memory_space<hbm>>
    %dma_start3A_18 = arith.constant 64 : i32
    %dma_start3A_19 = tpu.memref_slice %arg5[%dma_start3A_18] : memref<256xi32, #tpu.memory_space<vmem>> -> memref<64xi32, #tpu.memory_space<vmem>>
    %dma_start3A_20 = tpu.memref_slice %arg2[%dma_start3A_13, %mul3A_4] : memref<4x2048xi32, #tpu.memory_space<hbm>> -> memref<1x64xi32, #tpu.memory_space<hbm>>
    %dma_start3A_21 = tpu.memref_squeeze %dma_start3A_20 : memref<1x64xi32, #tpu.memory_space<hbm>> -> memref<64xi32, #tpu.memory_space<hbm>>
    tpu.enqueue_dma source(%dma_start3A_21 : memref<64xi32, #tpu.memory_space<hbm>>) target(%dma_start3A_19 : memref<64xi32, #tpu.memory_space<vmem>>) target_semaphore(%arg9 : memref<!tpu.dma_semaphore, #tpu.memory_space<semaphore_mem>>)
    %dma_start3A_22 = arith.constant 2 : i32
    %dma_start3A_23 = arith.constant 128 : i32
    %dma_start3A_24 = tpu.memref_slice %arg5[%dma_start3A_23] : memref<256xi32, #tpu.memory_space<vmem>> -> memref<64xi32, #tpu.memory_space<vmem>>
    %dma_start3A_25 = tpu.memref_slice %arg2[%dma_start3A_22, %mul3A_4] : memref<4x2048xi32, #tpu.memory_space<hbm>> -> memref<1x64xi32, #tpu.memory_space<hbm>>
    %dma_start3A_26 = tpu.memref_squeeze %dma_start3A_25 : memref<1x64xi32, #tpu.memory_space<hbm>> -> memref<64xi32, #tpu.memory_space<hbm>>
    %dma_start3A_27 = arith.constant 128 : i32
    %dma_start3A_28 = tpu.memref_slice %arg5[%dma_start3A_27] : memref<256xi32, #tpu.memory_space<vmem>> -> memref<64xi32, #tpu.memory_space<vmem>>
    %dma_start3A_29 = tpu.memref_slice %arg2[%dma_start3A_22, %mul3A_4] : memref<4x2048xi32, #tpu.memory_space<hbm>> -> memref<1x64xi32, #tpu.memory_space<hbm>>
    %dma_start3A_30 = tpu.memref_squeeze %dma_start3A_29 : memref<1x64xi32, #tpu.memory_space<hbm>> -> memref<64xi32, #tpu.memory_space<hbm>>
    tpu.enqueue_dma source(%dma_start3A_30 : memref<64xi32, #tpu.memory_space<hbm>>) target(%dma_start3A_28 : memref<64xi32, #tpu.memory_space<vmem>>) target_semaphore(%arg9 : memref<!tpu.dma_semaphore, #tpu.memory_space<semaphore_mem>>)
    %dma_start3A_31 = arith.constant 3 : i32
    %dma_start3A_32 = arith.constant 192 : i32
    %dma_start3A_33 = tpu.memref_slice %arg5[%dma_start3A_32] : memref<256xi32, #tpu.memory_space<vmem>> -> memref<64xi32, #tpu.memory_space<vmem>>
    %dma_start3A_34 = tpu.memref_slice %arg2[%dma_start3A_31, %mul3A_4] : memref<4x2048xi32, #tpu.memory_space<hbm>> -> memref<1x64xi32, #tpu.memory_space<hbm>>
    %dma_start3A_35 = tpu.memref_squeeze %dma_start3A_34 : memref<1x64xi32, #tpu.memory_space<hbm>> -> memref<64xi32, #tpu.memory_space<hbm>>
    %dma_start3A_36 = arith.constant 192 : i32
    %dma_start3A_37 = tpu.memref_slice %arg5[%dma_start3A_36] : memref<256xi32, #tpu.memory_space<vmem>> -> memref<64xi32, #tpu.memory_space<vmem>>
    %dma_start3A_38 = tpu.memref_slice %arg2[%dma_start3A_31, %mul3A_4] : memref<4x2048xi32, #tpu.memory_space<hbm>> -> memref<1x64xi32, #tpu.memory_space<hbm>>
    %dma_start3A_39 = tpu.memref_squeeze %dma_start3A_38 : memref<1x64xi32, #tpu.memory_space<hbm>> -> memref<64xi32, #tpu.memory_space<hbm>>
    tpu.enqueue_dma source(%dma_start3A_39 : memref<64xi32, #tpu.memory_space<hbm>>) target(%dma_start3A_37 : memref<64xi32, #tpu.memory_space<vmem>>) target_semaphore(%arg9 : memref<!tpu.dma_semaphore, #tpu.memory_space<semaphore_mem>>)
    %dma_wait3A = arith.constant 0 : i32
    %dma_wait3A_40 = arith.constant 0 : i32
    %dma_wait3A_41 = tpu.memref_slice %arg5[%dma_wait3A_40] : memref<256xi32, #tpu.memory_space<vmem>> -> memref<64xi32, #tpu.memory_space<vmem>>
    %dma_wait3A_42 = tpu.memref_slice %arg2[%dma_wait3A, %mul3A_4] : memref<4x2048xi32, #tpu.memory_space<hbm>> -> memref<1x64xi32, #tpu.memory_space<hbm>>
    %dma_wait3A_43 = tpu.memref_squeeze %dma_wait3A_42 : memref<1x64xi32, #tpu.memory_space<hbm>> -> memref<64xi32, #tpu.memory_space<hbm>>
    %dma_wait3A_44 = arith.constant 0 : i32
    %dma_wait3A_45 = tpu.memref_slice %arg5[%dma_wait3A_44] : memref<256xi32, #tpu.memory_space<vmem>> -> memref<64xi32, #tpu.memory_space<vmem>>
    %dma_wait3A_46 = tpu.memref_slice %arg2[%dma_wait3A, %mul3A_4] : memref<4x2048xi32, #tpu.memory_space<hbm>> -> memref<1x64xi32, #tpu.memory_space<hbm>>
    %dma_wait3A_47 = tpu.memref_squeeze %dma_wait3A_46 : memref<1x64xi32, #tpu.memory_space<hbm>> -> memref<64xi32, #tpu.memory_space<hbm>>
    tpu.wait_dma2 semaphore(%arg9 : memref<!tpu.dma_semaphore, #tpu.memory_space<semaphore_mem>>) src(%dma_wait3A_47 : memref<64xi32, #tpu.memory_space<hbm>>) dst(%dma_wait3A_45 : memref<64xi32, #tpu.memory_space<vmem>>)
    %dma_wait3A_48 = arith.constant 1 : i32
    %dma_wait3A_49 = arith.constant 64 : i32
    %dma_wait3A_50 = tpu.memref_slice %arg5[%dma_wait3A_49] : memref<256xi32, #tpu.memory_space<vmem>> -> memref<64xi32, #tpu.memory_space<vmem>>
    %dma_wait3A_51 = tpu.memref_slice %arg2[%dma_wait3A_48, %mul3A_4] : memref<4x2048xi32, #tpu.memory_space<hbm>> -> memref<1x64xi32, #tpu.memory_space<hbm>>
    %dma_wait3A_52 = tpu.memref_squeeze %dma_wait3A_51 : memref<1x64xi32, #tpu.memory_space<hbm>> -> memref<64xi32, #tpu.memory_space<hbm>>
    %dma_wait3A_53 = arith.constant 64 : i32
    %dma_wait3A_54 = tpu.memref_slice %arg5[%dma_wait3A_53] : memref<256xi32, #tpu.memory_space<vmem>> -> memref<64xi32, #tpu.memory_space<vmem>>
    %dma_wait3A_55 = tpu.memref_slice %arg2[%dma_wait3A_48, %mul3A_4] : memref<4x2048xi32, #tpu.memory_space<hbm>> -> memref<1x64xi32, #tpu.memory_space<hbm>>
    %dma_wait3A_56 = tpu.memref_squeeze %dma_wait3A_55 : memref<1x64xi32, #tpu.memory_space<hbm>> -> memref<64xi32, #tpu.memory_space<hbm>>
    tpu.wait_dma2 semaphore(%arg9 : memref<!tpu.dma_semaphore, #tpu.memory_space<semaphore_mem>>) src(%dma_wait3A_56 : memref<64xi32, #tpu.memory_space<hbm>>) dst(%dma_wait3A_54 : memref<64xi32, #tpu.memory_space<vmem>>)
    %dma_wait3A_57 = arith.constant 2 : i32
    %dma_wait3A_58 = arith.constant 128 : i32
    %dma_wait3A_59 = tpu.memref_slice %arg5[%dma_wait3A_58] : memref<256xi32, #tpu.memory_space<vmem>> -> memref<64xi32, #tpu.memory_space<vmem>>
    %dma_wait3A_60 = tpu.memref_slice %arg2[%dma_wait3A_57, %mul3A_4] : memref<4x2048xi32, #tpu.memory_space<hbm>> -> memref<1x64xi32, #tpu.memory_space<hbm>>
    %dma_wait3A_61 = tpu.memref_squeeze %dma_wait3A_60 : memref<1x64xi32, #tpu.memory_space<hbm>> -> memref<64xi32, #tpu.memory_space<hbm>>
    %dma_wait3A_62 = arith.constant 128 : i32
    %dma_wait3A_63 = tpu.memref_slice %arg5[%dma_wait3A_62] : memref<256xi32, #tpu.memory_space<vmem>> -> memref<64xi32, #tpu.memory_space<vmem>>
    %dma_wait3A_64 = tpu.memref_slice %arg2[%dma_wait3A_57, %mul3A_4] : memref<4x2048xi32, #tpu.memory_space<hbm>> -> memref<1x64xi32, #tpu.memory_space<hbm>>
    %dma_wait3A_65 = tpu.memref_squeeze %dma_wait3A_64 : memref<1x64xi32, #tpu.memory_space<hbm>> -> memref<64xi32, #tpu.memory_space<hbm>>
    tpu.wait_dma2 semaphore(%arg9 : memref<!tpu.dma_semaphore, #tpu.memory_space<semaphore_mem>>) src(%dma_wait3A_65 : memref<64xi32, #tpu.memory_space<hbm>>) dst(%dma_wait3A_63 : memref<64xi32, #tpu.memory_space<vmem>>)
    %dma_wait3A_66 = arith.constant 3 : i32
    %dma_wait3A_67 = arith.constant 192 : i32
    %dma_wait3A_68 = tpu.memref_slice %arg5[%dma_wait3A_67] : memref<256xi32, #tpu.memory_space<vmem>> -> memref<64xi32, #tpu.memory_space<vmem>>
    %dma_wait3A_69 = tpu.memref_slice %arg2[%dma_wait3A_66, %mul3A_4] : memref<4x2048xi32, #tpu.memory_space<hbm>> -> memref<1x64xi32, #tpu.memory_space<hbm>>
    %dma_wait3A_70 = tpu.memref_squeeze %dma_wait3A_69 : memref<1x64xi32, #tpu.memory_space<hbm>> -> memref<64xi32, #tpu.memory_space<hbm>>
    %dma_wait3A_71 = arith.constant 192 : i32
    %dma_wait3A_72 = tpu.memref_slice %arg5[%dma_wait3A_71] : memref<256xi32, #tpu.memory_space<vmem>> -> memref<64xi32, #tpu.memory_space<vmem>>
    %dma_wait3A_73 = tpu.memref_slice %arg2[%dma_wait3A_66, %mul3A_4] : memref<4x2048xi32, #tpu.memory_space<hbm>> -> memref<1x64xi32, #tpu.memory_space<hbm>>
    %dma_wait3A_74 = tpu.memref_squeeze %dma_wait3A_73 : memref<1x64xi32, #tpu.memory_space<hbm>> -> memref<64xi32, #tpu.memory_space<hbm>>
    tpu.wait_dma2 semaphore(%arg9 : memref<!tpu.dma_semaphore, #tpu.memory_space<semaphore_mem>>) src(%dma_wait3A_74 : memref<64xi32, #tpu.memory_space<hbm>>) dst(%dma_wait3A_72 : memref<64xi32, #tpu.memory_space<vmem>>)
    %iota3A = tpu.iota {dimensions = array<i32: 0>} : vector<16xi32>
    %shift_right_arithmetic3A = arith.constant 2 : i32
    %shift_right_arithmetic3A_75 = vector.broadcast %shift_right_arithmetic3A : i32 to vector<16xi32>
    %shift_right_arithmetic3A_76 = arith.shrsi %iota3A, %shift_right_arithmetic3A_75 : vector<16xi32>
    %and3A = arith.constant 3 : i32
    %and3A_77 = vector.broadcast %and3A : i32 to vector<16xi32>
    %and3A_78 = arith.andi %iota3A, %and3A_77 : vector<16xi32>
    %get3A = arith.constant 0 : index
    %get3A_79 = tpu.vector_load %arg5[%get3A] {strides = array<i32>} : memref<256xi32, #tpu.memory_space<vmem>>, vector<16xi32>,
    %get3A_80 = vector.shape_cast %get3A_79 : vector<16xi32> to vector<16xi32>
    %get3A_81 = arith.constant 64 : index
    %get3A_82 = tpu.vector_load %arg5[%get3A_81] {strides = array<i32>} : memref<256xi32, #tpu.memory_space<vmem>>, vector<16xi32>,
    %get3A_83 = vector.shape_cast %get3A_82 : vector<16xi32> to vector<16xi32>
    %get3A_84 = arith.constant 128 : index
    %get3A_85 = tpu.vector_load %arg5[%get3A_84] {strides = array<i32>} : memref<256xi32, #tpu.memory_space<vmem>>, vector<16xi32>,
    %get3A_86 = vector.shape_cast %get3A_85 : vector<16xi32> to vector<16xi32>
    %get3A_87 = arith.constant 192 : index
    %get3A_88 = tpu.vector_load %arg5[%get3A_87] {strides = array<i32>} : memref<256xi32, #tpu.memory_space<vmem>>, vector<16xi32>,
    %get3A_89 = vector.shape_cast %get3A_88 : vector<16xi32> to vector<16xi32>
    %add3A_90 = arith.constant 0 : i32
    %add3A_91 = vector.broadcast %add3A_90 : i32 to vector<16xi32>
    %add3A_92 = arith.addi %add3A_91, %shift_right_arithmetic3A_76 : vector<16xi32>
    %broadcast_in_dim3A = vector.shape_cast %add3A_92 : vector<16xi32> to vector<16x1xi32>
    %gather3A = vector.shape_cast %broadcast_in_dim3A : vector<16x1xi32> to vector<16xi32>
    %gather3A_93 = tpu.dynamic_gather %get3A_80[%gather3A] in [0] : vector<16xi32>, vector<16xi32> -> vector<16xi32>
    %broadcast_in_dim3A_94 = vector.shape_cast %add3A_92 : vector<16xi32> to vector<16x1xi32>
    %gather3A_95 = vector.shape_cast %broadcast_in_dim3A_94 : vector<16x1xi32> to vector<16xi32>
    %gather3A_96 = tpu.dynamic_gather %get3A_83[%gather3A_95] in [0] : vector<16xi32>, vector<16xi32> -> vector<16xi32>
    %broadcast_in_dim3A_97 = vector.shape_cast %add3A_92 : vector<16xi32> to vector<16x1xi32>
    %gather3A_98 = vector.shape_cast %broadcast_in_dim3A_97 : vector<16x1xi32> to vector<16xi32>
    %gather3A_99 = tpu.dynamic_gather %get3A_86[%gather3A_98] in [0] : vector<16xi32>, vector<16xi32> -> vector<16xi32>
    %broadcast_in_dim3A_100 = vector.shape_cast %add3A_92 : vector<16xi32> to vector<16x1xi32>
    %gather3A_101 = vector.shape_cast %broadcast_in_dim3A_100 : vector<16x1xi32> to vector<16xi32>
    %gather3A_102 = tpu.dynamic_gather %get3A_89[%gather3A_101] in [0] : vector<16xi32>, vector<16xi32> -> vector<16xi32>
    %eq3A = arith.constant 1 : i32
    %eq3A_103 = vector.broadcast %eq3A : i32 to vector<16xi32>
    %eq3A_104 = arith.cmpi eq, %and3A_78, %eq3A_103 : vector<16xi32>
    %select_n3A = arith.select %eq3A_104, %gather3A_96, %gather3A_93 : vector<16xi1>, vector<16xi32>
    %eq3A_105 = arith.constant 2 : i32
    %eq3A_106 = vector.broadcast %eq3A_105 : i32 to vector<16xi32>
    %eq3A_107 = arith.cmpi eq, %and3A_78, %eq3A_106 : vector<16xi32>
    %select_n3A_108 = arith.select %eq3A_107, %gather3A_99, %select_n3A : vector<16xi1>, vector<16xi32>
    %eq3A_109 = arith.constant 3 : i32
    %eq3A_110 = vector.broadcast %eq3A_109 : i32 to vector<16xi32>
    %eq3A_111 = arith.cmpi eq, %and3A_78, %eq3A_110 : vector<16xi32>
    %select_n3A_112 = arith.select %eq3A_111, %gather3A_102, %select_n3A_108 : vector<16xi1>, vector<16xi32>
    %swap3A = arith.constant 0 : index
    %swap3A_113 = tpu.vector_load %arg6[%swap3A] {strides = array<i32>} : memref<256xi32, #tpu.memory_space<vmem>>, vector<16xi32>,
    %swap3A_114 = vector.shape_cast %swap3A_113 : vector<16xi32> to vector<16xi32>
    %swap3A_115 = vector.shape_cast %select_n3A_112 : vector<16xi32> to vector<16xi32>
    tpu.vector_store %arg6[%swap3A], %swap3A_115 {strides = array<i32>} : memref<256xi32, #tpu.memory_space<vmem>>, vector<16xi32>,
    %add3A_116 = arith.constant 4 : i32
    %add3A_117 = vector.broadcast %add3A_116 : i32 to vector<16xi32>
    %add3A_118 = arith.addi %add3A_117, %shift_right_arithmetic3A_76 : vector<16xi32>
    %broadcast_in_dim3A_119 = vector.shape_cast %add3A_118 : vector<16xi32> to vector<16x1xi32>
    %gather3A_120 = vector.shape_cast %broadcast_in_dim3A_119 : vector<16x1xi32> to vector<16xi32>
    %gather3A_121 = tpu.dynamic_gather %get3A_80[%gather3A_120] in [0] : vector<16xi32>, vector<16xi32> -> vector<16xi32>
    %broadcast_in_dim3A_122 = vector.shape_cast %add3A_118 : vector<16xi32> to vector<16x1xi32>
    %gather3A_123 = vector.shape_cast %broadcast_in_dim3A_122 : vector<16x1xi32> to vector<16xi32>
    %gather3A_124 = tpu.dynamic_gather %get3A_83[%gather3A_123] in [0] : vector<16xi32>, vector<16xi32> -> vector<16xi32>
    %broadcast_in_dim3A_125 = vector.shape_cast %add3A_118 : vector<16xi32> to vector<16x1xi32>
    %gather3A_126 = vector.shape_cast %broadcast_in_dim3A_125 : vector<16x1xi32> to vector<16xi32>
    %gather3A_127 = tpu.dynamic_gather %get3A_86[%gather3A_126] in [0] : vector<16xi32>, vector<16xi32> -> vector<16xi32>
    %broadcast_in_dim3A_128 = vector.shape_cast %add3A_118 : vector<16xi32> to vector<16x1xi32>
    %gather3A_129 = vector.shape_cast %broadcast_in_dim3A_128 : vector<16x1xi32> to vector<16xi32>
    %gather3A_130 = tpu.dynamic_gather %get3A_89[%gather3A_129] in [0] : vector<16xi32>, vector<16xi32> -> vector<16xi32>
    %eq3A_131 = arith.constant 1 : i32
    %eq3A_132 = vector.broadcast %eq3A_131 : i32 to vector<16xi32>
    %eq3A_133 = arith.cmpi eq, %and3A_78, %eq3A_132 : vector<16xi32>
    %select_n3A_134 = arith.select %eq3A_133, %gather3A_124, %gather3A_121 : vector<16xi1>, vector<16xi32>
    %eq3A_135 = arith.constant 2 : i32
    %eq3A_136 = vector.broadcast %eq3A_135 : i32 to vector<16xi32>
    %eq3A_137 = arith.cmpi eq, %and3A_78, %eq3A_136 : vector<16xi32>
    %select_n3A_138 = arith.select %eq3A_137, %gather3A_127, %select_n3A_134 : vector<16xi1>, vector<16xi32>
    %eq3A_139 = arith.constant 3 : i32
    %eq3A_140 = vector.broadcast %eq3A_139 : i32 to vector<16xi32>
    %eq3A_141 = arith.cmpi eq, %and3A_78, %eq3A_140 : vector<16xi32>
    %select_n3A_142 = arith.select %eq3A_141, %gather3A_130, %select_n3A_138 : vector<16xi1>, vector<16xi32>
    %swap3A_143 = arith.constant 16 : index
    %swap3A_144 = tpu.vector_load %arg6[%swap3A_143] {strides = array<i32>} : memref<256xi32, #tpu.memory_space<vmem>>, vector<16xi32>,
    %swap3A_145 = vector.shape_cast %swap3A_144 : vector<16xi32> to vector<16xi32>
    %swap3A_146 = vector.shape_cast %select_n3A_142 : vector<16xi32> to vector<16xi32>
    tpu.vector_store %arg6[%swap3A_143], %swap3A_146 {strides = array<i32>} : memref<256xi32, #tpu.memory_space<vmem>>, vector<16xi32>,
    %add3A_147 = arith.constant 8 : i32
    %add3A_148 = vector.broadcast %add3A_147 : i32 to vector<16xi32>
    %add3A_149 = arith.addi %add3A_148, %shift_right_arithmetic3A_76 : vector<16xi32>
    %broadcast_in_dim3A_150 = vector.shape_cast %add3A_149 : vector<16xi32> to vector<16x1xi32>
    %gather3A_151 = vector.shape_cast %broadcast_in_dim3A_150 : vector<16x1xi32> to vector<16xi32>
    %gather3A_152 = tpu.dynamic_gather %get3A_80[%gather3A_151] in [0] : vector<16xi32>, vector<16xi32> -> vector<16xi32>
    %broadcast_in_dim3A_153 = vector.shape_cast %add3A_149 : vector<16xi32> to vector<16x1xi32>
    %gather3A_154 = vector.shape_cast %broadcast_in_dim3A_153 : vector<16x1xi32> to vector<16xi32>
    %gather3A_155 = tpu.dynamic_gather %get3A_83[%gather3A_154] in [0] : vector<16xi32>, vector<16xi32> -> vector<16xi32>
    %broadcast_in_dim3A_156 = vector.shape_cast %add3A_149 : vector<16xi32> to vector<16x1xi32>
    %gather3A_157 = vector.shape_cast %broadcast_in_dim3A_156 : vector<16x1xi32> to vector<16xi32>
    %gather3A_158 = tpu.dynamic_gather %get3A_86[%gather3A_157] in [0] : vector<16xi32>, vector<16xi32> -> vector<16xi32>
    %broadcast_in_dim3A_159 = vector.shape_cast %add3A_149 : vector<16xi32> to vector<16x1xi32>
    %gather3A_160 = vector.shape_cast %broadcast_in_dim3A_159 : vector<16x1xi32> to vector<16xi32>
    %gather3A_161 = tpu.dynamic_gather %get3A_89[%gather3A_160] in [0] : vector<16xi32>, vector<16xi32> -> vector<16xi32>
    %eq3A_162 = arith.constant 1 : i32
    %eq3A_163 = vector.broadcast %eq3A_162 : i32 to vector<16xi32>
    %eq3A_164 = arith.cmpi eq, %and3A_78, %eq3A_163 : vector<16xi32>
    %select_n3A_165 = arith.select %eq3A_164, %gather3A_155, %gather3A_152 : vector<16xi1>, vector<16xi32>
    %eq3A_166 = arith.constant 2 : i32
    %eq3A_167 = vector.broadcast %eq3A_166 : i32 to vector<16xi32>
    %eq3A_168 = arith.cmpi eq, %and3A_78, %eq3A_167 : vector<16xi32>
    %select_n3A_169 = arith.select %eq3A_168, %gather3A_158, %select_n3A_165 : vector<16xi1>, vector<16xi32>
    %eq3A_170 = arith.constant 3 : i32
    %eq3A_171 = vector.broadcast %eq3A_170 : i32 to vector<16xi32>
    %eq3A_172 = arith.cmpi eq, %and3A_78, %eq3A_171 : vector<16xi32>
    %select_n3A_173 = arith.select %eq3A_172, %gather3A_161, %select_n3A_169 : vector<16xi1>, vector<16xi32>
    %swap3A_174 = arith.constant 32 : index
    %swap3A_175 = tpu.vector_load %arg6[%swap3A_174] {strides = array<i32>} : memref<256xi32, #tpu.memory_space<vmem>>, vector<16xi32>,
    %swap3A_176 = vector.shape_cast %swap3A_175 : vector<16xi32> to vector<16xi32>
    %swap3A_177 = vector.shape_cast %select_n3A_173 : vector<16xi32> to vector<16xi32>
    tpu.vector_store %arg6[%swap3A_174], %swap3A_177 {strides = array<i32>} : memref<256xi32, #tpu.memory_space<vmem>>, vector<16xi32>,
    %add3A_178 = arith.constant 12 : i32
    %add3A_179 = vector.broadcast %add3A_178 : i32 to vector<16xi32>
    %add3A_180 = arith.addi %add3A_179, %shift_right_arithmetic3A_76 : vector<16xi32>
    %broadcast_in_dim3A_181 = vector.shape_cast %add3A_180 : vector<16xi32> to vector<16x1xi32>
    %gather3A_182 = vector.shape_cast %broadcast_in_dim3A_181 : vector<16x1xi32> to vector<16xi32>
    %gather3A_183 = tpu.dynamic_gather %get3A_80[%gather3A_182] in [0] : vector<16xi32>, vector<16xi32> -> vector<16xi32>
    %broadcast_in_dim3A_184 = vector.shape_cast %add3A_180 : vector<16xi32> to vector<16x1xi32>
    %gather3A_185 = vector.shape_cast %broadcast_in_dim3A_184 : vector<16x1xi32> to vector<16xi32>
    %gather3A_186 = tpu.dynamic_gather %get3A_83[%gather3A_185] in [0] : vector<16xi32>, vector<16xi32> -> vector<16xi32>
    %broadcast_in_dim3A_187 = vector.shape_cast %add3A_180 : vector<16xi32> to vector<16x1xi32>
    %gather3A_188 = vector.shape_cast %broadcast_in_dim3A_187 : vector<16x1xi32> to vector<16xi32>
    %gather3A_189 = tpu.dynamic_gather %get3A_86[%gather3A_188] in [0] : vector<16xi32>, vector<16xi32> -> vector<16xi32>
    %broadcast_in_dim3A_190 = vector.shape_cast %add3A_180 : vector<16xi32> to vector<16x1xi32>
    %gather3A_191 = vector.shape_cast %broadcast_in_dim3A_190 : vector<16x1xi32> to vector<16xi32>
    %gather3A_192 = tpu.dynamic_gather %get3A_89[%gather3A_191] in [0] : vector<16xi32>, vector<16xi32> -> vector<16xi32>
    %eq3A_193 = arith.constant 1 : i32
    %eq3A_194 = vector.broadcast %eq3A_193 : i32 to vector<16xi32>
    %eq3A_195 = arith.cmpi eq, %and3A_78, %eq3A_194 : vector<16xi32>
    %select_n3A_196 = arith.select %eq3A_195, %gather3A_186, %gather3A_183 : vector<16xi1>, vector<16xi32>
    %eq3A_197 = arith.constant 2 : i32
    %eq3A_198 = vector.broadcast %eq3A_197 : i32 to vector<16xi32>
    %eq3A_199 = arith.cmpi eq, %and3A_78, %eq3A_198 : vector<16xi32>
    %select_n3A_200 = arith.select %eq3A_199, %gather3A_189, %select_n3A_196 : vector<16xi1>, vector<16xi32>
    %eq3A_201 = arith.constant 3 : i32
    %eq3A_202 = vector.broadcast %eq3A_201 : i32 to vector<16xi32>
    %eq3A_203 = arith.cmpi eq, %and3A_78, %eq3A_202 : vector<16xi32>
    %select_n3A_204 = arith.select %eq3A_203, %gather3A_192, %select_n3A_200 : vector<16xi1>, vector<16xi32>
    %swap3A_205 = arith.constant 48 : index
    %swap3A_206 = tpu.vector_load %arg6[%swap3A_205] {strides = array<i32>} : memref<256xi32, #tpu.memory_space<vmem>>, vector<16xi32>,
    %swap3A_207 = vector.shape_cast %swap3A_206 : vector<16xi32> to vector<16xi32>
    %swap3A_208 = vector.shape_cast %select_n3A_204 : vector<16xi32> to vector<16xi32>
    tpu.vector_store %arg6[%swap3A_205], %swap3A_208 {strides = array<i32>} : memref<256xi32, #tpu.memory_space<vmem>>, vector<16xi32>,
    %dma_start3A_209 = arith.constant 0 : i32
    %dma_start3A_210 = arith.constant 0 : i32
    %dma_start3A_211 = arith.constant 0 : i32
    %dma_start3A_212 = tpu.memref_slice %arg7[%dma_start3A_209, %dma_start3A_210, %dma_start3A_211] : memref<3x8x4096xf32, #tpu.memory_space<vmem>> -> memref<1x8x4096xf32, #tpu.memory_space<vmem>>
    %dma_start3A_213 = tpu.memref_squeeze %dma_start3A_212 : memref<1x8x4096xf32, #tpu.memory_space<vmem>> -> memref<8x4096xf32, #tpu.memory_space<vmem>>
    %dma_start3A_214 = arith.constant 0 : i32
    %dma_start3A_215 = tpu.memref_slice %arg6[%dma_start3A_214] : memref<256xi32, #tpu.memory_space<vmem>> -> memref<8xi32, #tpu.memory_space<vmem>>
    %dma_start3A_216 = arith.constant 0 : i32
    %dma_start3A_217 = arith.constant 0 : i32
    %dma_start3A_218 = tpu.memref_slice %arg3[%dma_start3A_216, %dma_start3A_217] : memref<65024x4096xf32, #tpu.memory_space<hbm>> -> memref<65024x4096xf32, #tpu.memory_space<hbm>>
    tpu.enqueue_indirect_dma source(%dma_start3A_218 : memref<65024x4096xf32, #tpu.memory_space<hbm>>) target(%dma_start3A_213 : memref<8x4096xf32, #tpu.memory_space<vmem>>) offsets(%dma_start3A_215 : memref<8xi32, #tpu.memory_space<vmem>>) semaphore(%arg8 : memref<!tpu.dma_semaphore, #tpu.memory_space<semaphore_mem>>)
    %dma_start3A_219 = arith.constant 1 : i32
    %dma_start3A_220 = arith.constant 0 : i32
    %dma_start3A_221 = arith.constant 0 : i32
    %dma_start3A_222 = tpu.memref_slice %arg7[%dma_start3A_219, %dma_start3A_220, %dma_start3A_221] : memref<3x8x4096xf32, #tpu.memory_space<vmem>> -> memref<1x8x4096xf32, #tpu.memory_space<vmem>>
    %dma_start3A_223 = tpu.memref_squeeze %dma_start3A_222 : memref<1x8x4096xf32, #tpu.memory_space<vmem>> -> memref<8x4096xf32, #tpu.memory_space<vmem>>
    %dma_start3A_224 = arith.constant 8 : i32
    %dma_start3A_225 = tpu.memref_slice %arg6[%dma_start3A_224] : memref<256xi32, #tpu.memory_space<vmem>> -> memref<8xi32, #tpu.memory_space<vmem>>
    %dma_start3A_226 = arith.constant 0 : i32
    %dma_start3A_227 = arith.constant 0 : i32
    %dma_start3A_228 = tpu.memref_slice %arg3[%dma_start3A_226, %dma_start3A_227] : memref<65024x4096xf32, #tpu.memory_space<hbm>> -> memref<65024x4096xf32, #tpu.memory_space<hbm>>
    tpu.enqueue_indirect_dma source(%dma_start3A_228 : memref<65024x4096xf32, #tpu.memory_space<hbm>>) target(%dma_start3A_223 : memref<8x4096xf32, #tpu.memory_space<vmem>>) offsets(%dma_start3A_225 : memref<8xi32, #tpu.memory_space<vmem>>) semaphore(%arg8 : memref<!tpu.dma_semaphore, #tpu.memory_space<semaphore_mem>>)
    %get3A_229 = arith.constant 16 : index
    %get3A_230 = tpu.vector_load %arg5[%get3A_229] {strides = array<i32>} : memref<256xi32, #tpu.memory_space<vmem>>, vector<16xi32>,
    %get3A_231 = vector.shape_cast %get3A_230 : vector<16xi32> to vector<16xi32>
    %get3A_232 = arith.constant 80 : index
    %get3A_233 = tpu.vector_load %arg5[%get3A_232] {strides = array<i32>} : memref<256xi32, #tpu.memory_space<vmem>>, vector<16xi32>,
    %get3A_234 = vector.shape_cast %get3A_233 : vector<16xi32> to vector<16xi32>
    %get3A_235 = arith.constant 144 : index
    %get3A_236 = tpu.vector_load %arg5[%get3A_235] {strides = array<i32>} : memref<256xi32, #tpu.memory_space<vmem>>, vector<16xi32>,
    %get3A_237 = vector.shape_cast %get3A_236 : vector<16xi32> to vector<16xi32>
    %get3A_238 = arith.constant 208 : index
    %get3A_239 = tpu.vector_load %arg5[%get3A_238] {strides = array<i32>} : memref<256xi32, #tpu.memory_space<vmem>>, vector<16xi32>,
    %get3A_240 = vector.shape_cast %get3A_239 : vector<16xi32> to vector<16xi32>
    %add3A_241 = arith.constant 0 : i32
    %add3A_242 = vector.broadcast %add3A_241 : i32 to vector<16xi32>
    %add3A_243 = arith.addi %add3A_242, %shift_right_arithmetic3A_76 : vector<16xi32>
    %broadcast_in_dim3A_244 = vector.shape_cast %add3A_243 : vector<16xi32> to vector<16x1xi32>
    %gather3A_245 = vector.shape_cast %broadcast_in_dim3A_244 : vector<16x1xi32> to vector<16xi32>
    %gather3A_246 = tpu.dynamic_gather %get3A_231[%gather3A_245] in [0] : vector<16xi32>, vector<16xi32> -> vector<16xi32>
    %broadcast_in_dim3A_247 = vector.shape_cast %add3A_243 : vector<16xi32> to vector<16x1xi32>
    %gather3A_248 = vector.shape_cast %broadcast_in_dim3A_247 : vector<16x1xi32> to vector<16xi32>
    %gather3A_249 = tpu.dynamic_gather %get3A_234[%gather3A_248] in [0] : vector<16xi32>, vector<16xi32> -> vector<16xi32>
    %broadcast_in_dim3A_250 = vector.shape_cast %add3A_243 : vector<16xi32> to vector<16x1xi32>
    %gather3A_251 = vector.shape_cast %broadcast_in_dim3A_250 : vector<16x1xi32> to vector<16xi32>
    %gather3A_252 = tpu.dynamic_gather %get3A_237[%gather3A_251] in [0] : vector<16xi32>, vector<16xi32> -> vector<16xi32>
    %broadcast_in_dim3A_253 = vector.shape_cast %add3A_243 : vector<16xi32> to vector<16x1xi32>
    %gather3A_254 = vector.shape_cast %broadcast_in_dim3A_253 : vector<16x1xi32> to vector<16xi32>
    %gather3A_255 = tpu.dynamic_gather %get3A_240[%gather3A_254] in [0] : vector<16xi32>, vector<16xi32> -> vector<16xi32>
    %eq3A_256 = arith.constant 1 : i32
    %eq3A_257 = vector.broadcast %eq3A_256 : i32 to vector<16xi32>
    %eq3A_258 = arith.cmpi eq, %and3A_78, %eq3A_257 : vector<16xi32>
    %select_n3A_259 = arith.select %eq3A_258, %gather3A_249, %gather3A_246 : vector<16xi1>, vector<16xi32>
    %eq3A_260 = arith.constant 2 : i32
    %eq3A_261 = vector.broadcast %eq3A_260 : i32 to vector<16xi32>
    %eq3A_262 = arith.cmpi eq, %and3A_78, %eq3A_261 : vector<16xi32>
    %select_n3A_263 = arith.select %eq3A_262, %gather3A_252, %select_n3A_259 : vector<16xi1>, vector<16xi32>
    %eq3A_264 = arith.constant 3 : i32
    %eq3A_265 = vector.broadcast %eq3A_264 : i32 to vector<16xi32>
    %eq3A_266 = arith.cmpi eq, %and3A_78, %eq3A_265 : vector<16xi32>
    %select_n3A_267 = arith.select %eq3A_266, %gather3A_255, %select_n3A_263 : vector<16xi1>, vector<16xi32>
    %swap3A_268 = arith.constant 64 : index
    %swap3A_269 = tpu.vector_load %arg6[%swap3A_268] {strides = array<i32>} : memref<256xi32, #tpu.memory_space<vmem>>, vector<16xi32>,
    %swap3A_270 = vector.shape_cast %swap3A_269 : vector<16xi32> to vector<16xi32>
    %swap3A_271 = vector.shape_cast %select_n3A_267 : vector<16xi32> to vector<16xi32>
    tpu.vector_store %arg6[%swap3A_268], %swap3A_271 {strides = array<i32>} : memref<256xi32, #tpu.memory_space<vmem>>, vector<16xi32>,
    %add3A_272 = arith.constant 4 : i32
    %add3A_273 = vector.broadcast %add3A_272 : i32 to vector<16xi32>
    %add3A_274 = arith.addi %add3A_273, %shift_right_arithmetic3A_76 : vector<16xi32>
    %broadcast_in_dim3A_275 = vector.shape_cast %add3A_274 : vector<16xi32> to vector<16x1xi32>
    %gather3A_276 = vector.shape_cast %broadcast_in_dim3A_275 : vector<16x1xi32> to vector<16xi32>
    %gather3A_277 = tpu.dynamic_gather %get3A_231[%gather3A_276] in [0] : vector<16xi32>, vector<16xi32> -> vector<16xi32>
    %broadcast_in_dim3A_278 = vector.shape_cast %add3A_274 : vector<16xi32> to vector<16x1xi32>
    %gather3A_279 = vector.shape_cast %broadcast_in_dim3A_278 : vector<16x1xi32> to vector<16xi32>
    %gather3A_280 = tpu.dynamic_gather %get3A_234[%gather3A_279] in [0] : vector<16xi32>, vector<16xi32> -> vector<16xi32>
    %broadcast_in_dim3A_281 = vector.shape_cast %add3A_274 : vector<16xi32> to vector<16x1xi32>
    %gather3A_282 = vector.shape_cast %broadcast_in_dim3A_281 : vector<16x1xi32> to vector<16xi32>
    %gather3A_283 = tpu.dynamic_gather %get3A_237[%gather3A_282] in [0] : vector<16xi32>, vector<16xi32> -> vector<16xi32>
    %broadcast_in_dim3A_284 = vector.shape_cast %add3A_274 : vector<16xi32> to vector<16x1xi32>
    %gather3A_285 = vector.shape_cast %broadcast_in_dim3A_284 : vector<16x1xi32> to vector<16xi32>
    %gather3A_286 = tpu.dynamic_gather %get3A_240[%gather3A_285] in [0] : vector<16xi32>, vector<16xi32> -> vector<16xi32>
    %eq3A_287 = arith.constant 1 : i32
    %eq3A_288 = vector.broadcast %eq3A_287 : i32 to vector<16xi32>
    %eq3A_289 = arith.cmpi eq, %and3A_78, %eq3A_288 : vector<16xi32>
    %select_n3A_290 = arith.select %eq3A_289, %gather3A_280, %gather3A_277 : vector<16xi1>, vector<16xi32>
    %eq3A_291 = arith.constant 2 : i32
    %eq3A_292 = vector.broadcast %eq3A_291 : i32 to vector<16xi32>
    %eq3A_293 = arith.cmpi eq, %and3A_78, %eq3A_292 : vector<16xi32>
    %select_n3A_294 = arith.select %eq3A_293, %gather3A_283, %select_n3A_290 : vector<16xi1>, vector<16xi32>
    %eq3A_295 = arith.constant 3 : i32
    %eq3A_296 = vector.broadcast %eq3A_295 : i32 to vector<16xi32>
    %eq3A_297 = arith.cmpi eq, %and3A_78, %eq3A_296 : vector<16xi32>
    %select_n3A_298 = arith.select %eq3A_297, %gather3A_286, %select_n3A_294 : vector<16xi1>, vector<16xi32>
    %swap3A_299 = arith.constant 80 : index
    %swap3A_300 = tpu.vector_load %arg6[%swap3A_299] {strides = array<i32>} : memref<256xi32, #tpu.memory_space<vmem>>, vector<16xi32>,
    %swap3A_301 = vector.shape_cast %swap3A_300 : vector<16xi32> to vector<16xi32>
    %swap3A_302 = vector.shape_cast %select_n3A_298 : vector<16xi32> to vector<16xi32>
    tpu.vector_store %arg6[%swap3A_299], %swap3A_302 {strides = array<i32>} : memref<256xi32, #tpu.memory_space<vmem>>, vector<16xi32>,
    %add3A_303 = arith.constant 8 : i32
    %add3A_304 = vector.broadcast %add3A_303 : i32 to vector<16xi32>
    %add3A_305 = arith.addi %add3A_304, %shift_right_arithmetic3A_76 : vector<16xi32>
    %broadcast_in_dim3A_306 = vector.shape_cast %add3A_305 : vector<16xi32> to vector<16x1xi32>
    %gather3A_307 = vector.shape_cast %broadcast_in_dim3A_306 : vector<16x1xi32> to vector<16xi32>
    %gather3A_308 = tpu.dynamic_gather %get3A_231[%gather3A_307] in [0] : vector<16xi32>, vector<16xi32> -> vector<16xi32>
    %broadcast_in_dim3A_309 = vector.shape_cast %add3A_305 : vector<16xi32> to vector<16x1xi32>
    %gather3A_310 = vector.shape_cast %broadcast_in_dim3A_309 : vector<16x1xi32> to vector<16xi32>
    %gather3A_311 = tpu.dynamic_gather %get3A_234[%gather3A_310] in [0] : vector<16xi32>, vector<16xi32> -> vector<16xi32>
    %broadcast_in_dim3A_312 = vector.shape_cast %add3A_305 : vector<16xi32> to vector<16x1xi32>
    %gather3A_313 = vector.shape_cast %broadcast_in_dim3A_312 : vector<16x1xi32> to vector<16xi32>
    %gather3A_314 = tpu.dynamic_gather %get3A_237[%gather3A_313] in [0] : vector<16xi32>, vector<16xi32> -> vector<16xi32>
    %broadcast_in_dim3A_315 = vector.shape_cast %add3A_305 : vector<16xi32> to vector<16x1xi32>
    %gather3A_316 = vector.shape_cast %broadcast_in_dim3A_315 : vector<16x1xi32> to vector<16xi32>
    %gather3A_317 = tpu.dynamic_gather %get3A_240[%gather3A_316] in [0] : vector<16xi32>, vector<16xi32> -> vector<16xi32>
    %eq3A_318 = arith.constant 1 : i32
    %eq3A_319 = vector.broadcast %eq3A_318 : i32 to vector<16xi32>
    %eq3A_320 = arith.cmpi eq, %and3A_78, %eq3A_319 : vector<16xi32>
    %select_n3A_321 = arith.select %eq3A_320, %gather3A_311, %gather3A_308 : vector<16xi1>, vector<16xi32>
    %eq3A_322 = arith.constant 2 : i32
    %eq3A_323 = vector.broadcast %eq3A_322 : i32 to vector<16xi32>
    %eq3A_324 = arith.cmpi eq, %and3A_78, %eq3A_323 : vector<16xi32>
    %select_n3A_325 = arith.select %eq3A_324, %gather3A_314, %select_n3A_321 : vector<16xi1>, vector<16xi32>
    %eq3A_326 = arith.constant 3 : i32
    %eq3A_327 = vector.broadcast %eq3A_326 : i32 to vector<16xi32>
    %eq3A_328 = arith.cmpi eq, %and3A_78, %eq3A_327 : vector<16xi32>
    %select_n3A_329 = arith.select %eq3A_328, %gather3A_317, %select_n3A_325 : vector<16xi1>, vector<16xi32>
    %swap3A_330 = arith.constant 96 : index
    %swap3A_331 = tpu.vector_load %arg6[%swap3A_330] {strides = array<i32>} : memref<256xi32, #tpu.memory_space<vmem>>, vector<16xi32>,
    %swap3A_332 = vector.shape_cast %swap3A_331 : vector<16xi32> to vector<16xi32>
    %swap3A_333 = vector.shape_cast %select_n3A_329 : vector<16xi32> to vector<16xi32>
    tpu.vector_store %arg6[%swap3A_330], %swap3A_333 {strides = array<i32>} : memref<256xi32, #tpu.memory_space<vmem>>, vector<16xi32>,
    %add3A_334 = arith.constant 12 : i32
    %add3A_335 = vector.broadcast %add3A_334 : i32 to vector<16xi32>
    %add3A_336 = arith.addi %add3A_335, %shift_right_arithmetic3A_76 : vector<16xi32>
    %broadcast_in_dim3A_337 = vector.shape_cast %add3A_336 : vector<16xi32> to vector<16x1xi32>
    %gather3A_338 = vector.shape_cast %broadcast_in_dim3A_337 : vector<16x1xi32> to vector<16xi32>
    %gather3A_339 = tpu.dynamic_gather %get3A_231[%gather3A_338] in [0] : vector<16xi32>, vector<16xi32> -> vector<16xi32>
    %broadcast_in_dim3A_340 = vector.shape_cast %add3A_336 : vector<16xi32> to vector<16x1xi32>
    %gather3A_341 = vector.shape_cast %broadcast_in_dim3A_340 : vector<16x1xi32> to vector<16xi32>
    %gather3A_342 = tpu.dynamic_gather %get3A_234[%gather3A_341] in [0] : vector<16xi32>, vector<16xi32> -> vector<16xi32>
    %broadcast_in_dim3A_343 = vector.shape_cast %add3A_336 : vector<16xi32> to vector<16x1xi32>
    %gather3A_344 = vector.shape_cast %broadcast_in_dim3A_343 : vector<16x1xi32> to vector<16xi32>
    %gather3A_345 = tpu.dynamic_gather %get3A_237[%gather3A_344] in [0] : vector<16xi32>, vector<16xi32> -> vector<16xi32>
    %broadcast_in_dim3A_346 = vector.shape_cast %add3A_336 : vector<16xi32> to vector<16x1xi32>
    %gather3A_347 = vector.shape_cast %broadcast_in_dim3A_346 : vector<16x1xi32> to vector<16xi32>
    %gather3A_348 = tpu.dynamic_gather %get3A_240[%gather3A_347] in [0] : vector<16xi32>, vector<16xi32> -> vector<16xi32>
    %eq3A_349 = arith.constant 1 : i32
    %eq3A_350 = vector.broadcast %eq3A_349 : i32 to vector<16xi32>
    %eq3A_351 = arith.cmpi eq, %and3A_78, %eq3A_350 : vector<16xi32>
    %select_n3A_352 = arith.select %eq3A_351, %gather3A_342, %gather3A_339 : vector<16xi1>, vector<16xi32>
    %eq3A_353 = arith.constant 2 : i32
    %eq3A_354 = vector.broadcast %eq3A_353 : i32 to vector<16xi32>
    %eq3A_355 = arith.cmpi eq, %and3A_78, %eq3A_354 : vector<16xi32>
    %select_n3A_356 = arith.select %eq3A_355, %gather3A_345, %select_n3A_352 : vector<16xi1>, vector<16xi32>
    %eq3A_357 = arith.constant 3 : i32
    %eq3A_358 = vector.broadcast %eq3A_357 : i32 to vector<16xi32>
    %eq3A_359 = arith.cmpi eq, %and3A_78, %eq3A_358 : vector<16xi32>
    %select_n3A_360 = arith.select %eq3A_359, %gather3A_348, %select_n3A_356 : vector<16xi1>, vector<16xi32>
    %swap3A_361 = arith.constant 112 : index
    %swap3A_362 = tpu.vector_load %arg6[%swap3A_361] {strides = array<i32>} : memref<256xi32, #tpu.memory_space<vmem>>, vector<16xi32>,
    %swap3A_363 = vector.shape_cast %swap3A_362 : vector<16xi32> to vector<16xi32>
    %swap3A_364 = vector.shape_cast %select_n3A_360 : vector<16xi32> to vector<16xi32>
    tpu.vector_store %arg6[%swap3A_361], %swap3A_364 {strides = array<i32>} : memref<256xi32, #tpu.memory_space<vmem>>, vector<16xi32>,
    %get3A_365 = arith.constant 32 : index
    %get3A_366 = tpu.vector_load %arg5[%get3A_365] {strides = array<i32>} : memref<256xi32, #tpu.memory_space<vmem>>, vector<16xi32>,
    %get3A_367 = vector.shape_cast %get3A_366 : vector<16xi32> to vector<16xi32>
    %get3A_368 = arith.constant 96 : index
    %get3A_369 = tpu.vector_load %arg5[%get3A_368] {strides = array<i32>} : memref<256xi32, #tpu.memory_space<vmem>>, vector<16xi32>,
    %get3A_370 = vector.shape_cast %get3A_369 : vector<16xi32> to vector<16xi32>
    %get3A_371 = arith.constant 160 : index
    %get3A_372 = tpu.vector_load %arg5[%get3A_371] {strides = array<i32>} : memref<256xi32, #tpu.memory_space<vmem>>, vector<16xi32>,
    %get3A_373 = vector.shape_cast %get3A_372 : vector<16xi32> to vector<16xi32>
    %get3A_374 = arith.constant 224 : index
    %get3A_375 = tpu.vector_load %arg5[%get3A_374] {strides = array<i32>} : memref<256xi32, #tpu.memory_space<vmem>>, vector<16xi32>,
    %get3A_376 = vector.shape_cast %get3A_375 : vector<16xi32> to vector<16xi32>
    %add3A_377 = arith.constant 0 : i32
    %add3A_378 = vector.broadcast %add3A_377 : i32 to vector<16xi32>
    %add3A_379 = arith.addi %add3A_378, %shift_right_arithmetic3A_76 : vector<16xi32>
    %broadcast_in_dim3A_380 = vector.shape_cast %add3A_379 : vector<16xi32> to vector<16x1xi32>
    %gather3A_381 = vector.shape_cast %broadcast_in_dim3A_380 : vector<16x1xi32> to vector<16xi32>
    %gather3A_382 = tpu.dynamic_gather %get3A_367[%gather3A_381] in [0] : vector<16xi32>, vector<16xi32> -> vector<16xi32>
    %broadcast_in_dim3A_383 = vector.shape_cast %add3A_379 : vector<16xi32> to vector<16x1xi32>
    %gather3A_384 = vector.shape_cast %broadcast_in_dim3A_383 : vector<16x1xi32> to vector<16xi32>
    %gather3A_385 = tpu.dynamic_gather %get3A_370[%gather3A_384] in [0] : vector<16xi32>, vector<16xi32> -> vector<16xi32>
    %broadcast_in_dim3A_386 = vector.shape_cast %add3A_379 : vector<16xi32> to vector<16x1xi32>
    %gather3A_387 = vector.shape_cast %broadcast_in_dim3A_386 : vector<16x1xi32> to vector<16xi32>
    %gather3A_388 = tpu.dynamic_gather %get3A_373[%gather3A_387] in [0] : vector<16xi32>, vector<16xi32> -> vector<16xi32>
    %broadcast_in_dim3A_389 = vector.shape_cast %add3A_379 : vector<16xi32> to vector<16x1xi32>
    %gather3A_390 = vector.shape_cast %broadcast_in_dim3A_389 : vector<16x1xi32> to vector<16xi32>
    %gather3A_391 = tpu.dynamic_gather %get3A_376[%gather3A_390] in [0] : vector<16xi32>, vector<16xi32> -> vector<16xi32>
    %eq3A_392 = arith.constant 1 : i32
    %eq3A_393 = vector.broadcast %eq3A_392 : i32 to vector<16xi32>
    %eq3A_394 = arith.cmpi eq, %and3A_78, %eq3A_393 : vector<16xi32>
    %select_n3A_395 = arith.select %eq3A_394, %gather3A_385, %gather3A_382 : vector<16xi1>, vector<16xi32>
    %eq3A_396 = arith.constant 2 : i32
    %eq3A_397 = vector.broadcast %eq3A_396 : i32 to vector<16xi32>
    %eq3A_398 = arith.cmpi eq, %and3A_78, %eq3A_397 : vector<16xi32>
    %select_n3A_399 = arith.select %eq3A_398, %gather3A_388, %select_n3A_395 : vector<16xi1>, vector<16xi32>
    %eq3A_400 = arith.constant 3 : i32
    %eq3A_401 = vector.broadcast %eq3A_400 : i32 to vector<16xi32>
    %eq3A_402 = arith.cmpi eq, %and3A_78, %eq3A_401 : vector<16xi32>
    %select_n3A_403 = arith.select %eq3A_402, %gather3A_391, %select_n3A_399 : vector<16xi1>, vector<16xi32>
    %swap3A_404 = arith.constant 128 : index
    %swap3A_405 = tpu.vector_load %arg6[%swap3A_404] {strides = array<i32>} : memref<256xi32, #tpu.memory_space<vmem>>, vector<16xi32>,
    %swap3A_406 = vector.shape_cast %swap3A_405 : vector<16xi32> to vector<16xi32>
    %swap3A_407 = vector.shape_cast %select_n3A_403 : vector<16xi32> to vector<16xi32>
    tpu.vector_store %arg6[%swap3A_404], %swap3A_407 {strides = array<i32>} : memref<256xi32, #tpu.memory_space<vmem>>, vector<16xi32>,
    %add3A_408 = arith.constant 4 : i32
    %add3A_409 = vector.broadcast %add3A_408 : i32 to vector<16xi32>
    %add3A_410 = arith.addi %add3A_409, %shift_right_arithmetic3A_76 : vector<16xi32>
    %broadcast_in_dim3A_411 = vector.shape_cast %add3A_410 : vector<16xi32> to vector<16x1xi32>
    %gather3A_412 = vector.shape_cast %broadcast_in_dim3A_411 : vector<16x1xi32> to vector<16xi32>
    %gather3A_413 = tpu.dynamic_gather %get3A_367[%gather3A_412] in [0] : vector<16xi32>, vector<16xi32> -> vector<16xi32>
    %broadcast_in_dim3A_414 = vector.shape_cast %add3A_410 : vector<16xi32> to vector<16x1xi32>
    %gather3A_415 = vector.shape_cast %broadcast_in_dim3A_414 : vector<16x1xi32> to vector<16xi32>
    %gather3A_416 = tpu.dynamic_gather %get3A_370[%gather3A_415] in [0] : vector<16xi32>, vector<16xi32> -> vector<16xi32>
    %broadcast_in_dim3A_417 = vector.shape_cast %add3A_410 : vector<16xi32> to vector<16x1xi32>
    %gather3A_418 = vector.shape_cast %broadcast_in_dim3A_417 : vector<16x1xi32> to vector<16xi32>
    %gather3A_419 = tpu.dynamic_gather %get3A_373[%gather3A_418] in [0] : vector<16xi32>, vector<16xi32> -> vector<16xi32>
    %broadcast_in_dim3A_420 = vector.shape_cast %add3A_410 : vector<16xi32> to vector<16x1xi32>
    %gather3A_421 = vector.shape_cast %broadcast_in_dim3A_420 : vector<16x1xi32> to vector<16xi32>
    %gather3A_422 = tpu.dynamic_gather %get3A_376[%gather3A_421] in [0] : vector<16xi32>, vector<16xi32> -> vector<16xi32>
    %eq3A_423 = arith.constant 1 : i32
    %eq3A_424 = vector.broadcast %eq3A_423 : i32 to vector<16xi32>
    %eq3A_425 = arith.cmpi eq, %and3A_78, %eq3A_424 : vector<16xi32>
    %select_n3A_426 = arith.select %eq3A_425, %gather3A_416, %gather3A_413 : vector<16xi1>, vector<16xi32>
    %eq3A_427 = arith.constant 2 : i32
    %eq3A_428 = vector.broadcast %eq3A_427 : i32 to vector<16xi32>
    %eq3A_429 = arith.cmpi eq, %and3A_78, %eq3A_428 : vector<16xi32>
    %select_n3A_430 = arith.select %eq3A_429, %gather3A_419, %select_n3A_426 : vector<16xi1>, vector<16xi32>
    %eq3A_431 = arith.constant 3 : i32
    %eq3A_432 = vector.broadcast %eq3A_431 : i32 to vector<16xi32>
    %eq3A_433 = arith.cmpi eq, %and3A_78, %eq3A_432 : vector<16xi32>
    %select_n3A_434 = arith.select %eq3A_433, %gather3A_422, %select_n3A_430 : vector<16xi1>, vector<16xi32>
    %swap3A_435 = arith.constant 144 : index
    %swap3A_436 = tpu.vector_load %arg6[%swap3A_435] {strides = array<i32>} : memref<256xi32, #tpu.memory_space<vmem>>, vector<16xi32>,
    %swap3A_437 = vector.shape_cast %swap3A_436 : vector<16xi32> to vector<16xi32>
    %swap3A_438 = vector.shape_cast %select_n3A_434 : vector<16xi32> to vector<16xi32>
    tpu.vector_store %arg6[%swap3A_435], %swap3A_438 {strides = array<i32>} : memref<256xi32, #tpu.memory_space<vmem>>, vector<16xi32>,
    %add3A_439 = arith.constant 8 : i32
    %add3A_440 = vector.broadcast %add3A_439 : i32 to vector<16xi32>
    %add3A_441 = arith.addi %add3A_440, %shift_right_arithmetic3A_76 : vector<16xi32>
    %broadcast_in_dim3A_442 = vector.shape_cast %add3A_441 : vector<16xi32> to vector<16x1xi32>
    %gather3A_443 = vector.shape_cast %broadcast_in_dim3A_442 : vector<16x1xi32> to vector<16xi32>
    %gather3A_444 = tpu.dynamic_gather %get3A_367[%gather3A_443] in [0] : vector<16xi32>, vector<16xi32> -> vector<16xi32>
    %broadcast_in_dim3A_445 = vector.shape_cast %add3A_441 : vector<16xi32> to vector<16x1xi32>
    %gather3A_446 = vector.shape_cast %broadcast_in_dim3A_445 : vector<16x1xi32> to vector<16xi32>
    %gather3A_447 = tpu.dynamic_gather %get3A_370[%gather3A_446] in [0] : vector<16xi32>, vector<16xi32> -> vector<16xi32>
    %broadcast_in_dim3A_448 = vector.shape_cast %add3A_441 : vector<16xi32> to vector<16x1xi32>
    %gather3A_449 = vector.shape_cast %broadcast_in_dim3A_448 : vector<16x1xi32> to vector<16xi32>
    %gather3A_450 = tpu.dynamic_gather %get3A_373[%gather3A_449] in [0] : vector<16xi32>, vector<16xi32> -> vector<16xi32>
    %broadcast_in_dim3A_451 = vector.shape_cast %add3A_441 : vector<16xi32> to vector<16x1xi32>
    %gather3A_452 = vector.shape_cast %broadcast_in_dim3A_451 : vector<16x1xi32> to vector<16xi32>
    %gather3A_453 = tpu.dynamic_gather %get3A_376[%gather3A_452] in [0] : vector<16xi32>, vector<16xi32> -> vector<16xi32>
    %eq3A_454 = arith.constant 1 : i32
    %eq3A_455 = vector.broadcast %eq3A_454 : i32 to vector<16xi32>
    %eq3A_456 = arith.cmpi eq, %and3A_78, %eq3A_455 : vector<16xi32>
    %select_n3A_457 = arith.select %eq3A_456, %gather3A_447, %gather3A_444 : vector<16xi1>, vector<16xi32>
    %eq3A_458 = arith.constant 2 : i32
    %eq3A_459 = vector.broadcast %eq3A_458 : i32 to vector<16xi32>
    %eq3A_460 = arith.cmpi eq, %and3A_78, %eq3A_459 : vector<16xi32>
    %select_n3A_461 = arith.select %eq3A_460, %gather3A_450, %select_n3A_457 : vector<16xi1>, vector<16xi32>
    %eq3A_462 = arith.constant 3 : i32
    %eq3A_463 = vector.broadcast %eq3A_462 : i32 to vector<16xi32>
    %eq3A_464 = arith.cmpi eq, %and3A_78, %eq3A_463 : vector<16xi32>
    %select_n3A_465 = arith.select %eq3A_464, %gather3A_453, %select_n3A_461 : vector<16xi1>, vector<16xi32>
    %swap3A_466 = arith.constant 160 : index
    %swap3A_467 = tpu.vector_load %arg6[%swap3A_466] {strides = array<i32>} : memref<256xi32, #tpu.memory_space<vmem>>, vector<16xi32>,
    %swap3A_468 = vector.shape_cast %swap3A_467 : vector<16xi32> to vector<16xi32>
    %swap3A_469 = vector.shape_cast %select_n3A_465 : vector<16xi32> to vector<16xi32>
    tpu.vector_store %arg6[%swap3A_466], %swap3A_469 {strides = array<i32>} : memref<256xi32, #tpu.memory_space<vmem>>, vector<16xi32>,
    %add3A_470 = arith.constant 12 : i32
    %add3A_471 = vector.broadcast %add3A_470 : i32 to vector<16xi32>
    %add3A_472 = arith.addi %add3A_471, %shift_right_arithmetic3A_76 : vector<16xi32>
    %broadcast_in_dim3A_473 = vector.shape_cast %add3A_472 : vector<16xi32> to vector<16x1xi32>
    %gather3A_474 = vector.shape_cast %broadcast_in_dim3A_473 : vector<16x1xi32> to vector<16xi32>
    %gather3A_475 = tpu.dynamic_gather %get3A_367[%gather3A_474] in [0] : vector<16xi32>, vector<16xi32> -> vector<16xi32>
    %broadcast_in_dim3A_476 = vector.shape_cast %add3A_472 : vector<16xi32> to vector<16x1xi32>
    %gather3A_477 = vector.shape_cast %broadcast_in_dim3A_476 : vector<16x1xi32> to vector<16xi32>
    %gather3A_478 = tpu.dynamic_gather %get3A_370[%gather3A_477] in [0] : vector<16xi32>, vector<16xi32> -> vector<16xi32>
    %broadcast_in_dim3A_479 = vector.shape_cast %add3A_472 : vector<16xi32> to vector<16x1xi32>
    %gather3A_480 = vector.shape_cast %broadcast_in_dim3A_479 : vector<16x1xi32> to vector<16xi32>
    %gather3A_481 = tpu.dynamic_gather %get3A_373[%gather3A_480] in [0] : vector<16xi32>, vector<16xi32> -> vector<16xi32>
    %broadcast_in_dim3A_482 = vector.shape_cast %add3A_472 : vector<16xi32> to vector<16x1xi32>
    %gather3A_483 = vector.shape_cast %broadcast_in_dim3A_482 : vector<16x1xi32> to vector<16xi32>
    %gather3A_484 = tpu.dynamic_gather %get3A_376[%gather3A_483] in [0] : vector<16xi32>, vector<16xi32> -> vector<16xi32>
    %eq3A_485 = arith.constant 1 : i32
    %eq3A_486 = vector.broadcast %eq3A_485 : i32 to vector<16xi32>
    %eq3A_487 = arith.cmpi eq, %and3A_78, %eq3A_486 : vector<16xi32>
    %select_n3A_488 = arith.select %eq3A_487, %gather3A_478, %gather3A_475 : vector<16xi1>, vector<16xi32>
    %eq3A_489 = arith.constant 2 : i32
    %eq3A_490 = vector.broadcast %eq3A_489 : i32 to vector<16xi32>
    %eq3A_491 = arith.cmpi eq, %and3A_78, %eq3A_490 : vector<16xi32>
    %select_n3A_492 = arith.select %eq3A_491, %gather3A_481, %select_n3A_488 : vector<16xi1>, vector<16xi32>
    %eq3A_493 = arith.constant 3 : i32
    %eq3A_494 = vector.broadcast %eq3A_493 : i32 to vector<16xi32>
    %eq3A_495 = arith.cmpi eq, %and3A_78, %eq3A_494 : vector<16xi32>
    %select_n3A_496 = arith.select %eq3A_495, %gather3A_484, %select_n3A_492 : vector<16xi1>, vector<16xi32>
    %swap3A_497 = arith.constant 176 : index
    %swap3A_498 = tpu.vector_load %arg6[%swap3A_497] {strides = array<i32>} : memref<256xi32, #tpu.memory_space<vmem>>, vector<16xi32>,
    %swap3A_499 = vector.shape_cast %swap3A_498 : vector<16xi32> to vector<16xi32>
    %swap3A_500 = vector.shape_cast %select_n3A_496 : vector<16xi32> to vector<16xi32>
    tpu.vector_store %arg6[%swap3A_497], %swap3A_500 {strides = array<i32>} : memref<256xi32, #tpu.memory_space<vmem>>, vector<16xi32>,
    %get3A_501 = arith.constant 48 : index
    %get3A_502 = tpu.vector_load %arg5[%get3A_501] {strides = array<i32>} : memref<256xi32, #tpu.memory_space<vmem>>, vector<16xi32>,
    %get3A_503 = vector.shape_cast %get3A_502 : vector<16xi32> to vector<16xi32>
    %get3A_504 = arith.constant 112 : index
    %get3A_505 = tpu.vector_load %arg5[%get3A_504] {strides = array<i32>} : memref<256xi32, #tpu.memory_space<vmem>>, vector<16xi32>,
    %get3A_506 = vector.shape_cast %get3A_505 : vector<16xi32> to vector<16xi32>
    %get3A_507 = arith.constant 176 : index
    %get3A_508 = tpu.vector_load %arg5[%get3A_507] {strides = array<i32>} : memref<256xi32, #tpu.memory_space<vmem>>, vector<16xi32>,
    %get3A_509 = vector.shape_cast %get3A_508 : vector<16xi32> to vector<16xi32>
    %get3A_510 = arith.constant 240 : index
    %get3A_511 = tpu.vector_load %arg5[%get3A_510] {strides = array<i32>} : memref<256xi32, #tpu.memory_space<vmem>>, vector<16xi32>,
    %get3A_512 = vector.shape_cast %get3A_511 : vector<16xi32> to vector<16xi32>
    %add3A_513 = arith.constant 0 : i32
    %add3A_514 = vector.broadcast %add3A_513 : i32 to vector<16xi32>
    %add3A_515 = arith.addi %add3A_514, %shift_right_arithmetic3A_76 : vector<16xi32>
    %broadcast_in_dim3A_516 = vector.shape_cast %add3A_515 : vector<16xi32> to vector<16x1xi32>
    %gather3A_517 = vector.shape_cast %broadcast_in_dim3A_516 : vector<16x1xi32> to vector<16xi32>
    %gather3A_518 = tpu.dynamic_gather %get3A_503[%gather3A_517] in [0] : vector<16xi32>, vector<16xi32> -> vector<16xi32>
    %broadcast_in_dim3A_519 = vector.shape_cast %add3A_515 : vector<16xi32> to vector<16x1xi32>
    %gather3A_520 = vector.shape_cast %broadcast_in_dim3A_519 : vector<16x1xi32> to vector<16xi32>
    %gather3A_521 = tpu.dynamic_gather %get3A_506[%gather3A_520] in [0] : vector<16xi32>, vector<16xi32> -> vector<16xi32>
    %broadcast_in_dim3A_522 = vector.shape_cast %add3A_515 : vector<16xi32> to vector<16x1xi32>
    %gather3A_523 = vector.shape_cast %broadcast_in_dim3A_522 : vector<16x1xi32> to vector<16xi32>
    %gather3A_524 = tpu.dynamic_gather %get3A_509[%gather3A_523] in [0] : vector<16xi32>, vector<16xi32> -> vector<16xi32>
    %broadcast_in_dim3A_525 = vector.shape_cast %add3A_515 : vector<16xi32> to vector<16x1xi32>
    %gather3A_526 = vector.shape_cast %broadcast_in_dim3A_525 : vector<16x1xi32> to vector<16xi32>
    %gather3A_527 = tpu.dynamic_gather %get3A_512[%gather3A_526] in [0] : vector<16xi32>, vector<16xi32> -> vector<16xi32>
    %eq3A_528 = arith.constant 1 : i32
    %eq3A_529 = vector.broadcast %eq3A_528 : i32 to vector<16xi32>
    %eq3A_530 = arith.cmpi eq, %and3A_78, %eq3A_529 : vector<16xi32>
    %select_n3A_531 = arith.select %eq3A_530, %gather3A_521, %gather3A_518 : vector<16xi1>, vector<16xi32>
    %eq3A_532 = arith.constant 2 : i32
    %eq3A_533 = vector.broadcast %eq3A_532 : i32 to vector<16xi32>
    %eq3A_534 = arith.cmpi eq, %and3A_78, %eq3A_533 : vector<16xi32>
    %select_n3A_535 = arith.select %eq3A_534, %gather3A_524, %select_n3A_531 : vector<16xi1>, vector<16xi32>
    %eq3A_536 = arith.constant 3 : i32
    %eq3A_537 = vector.broadcast %eq3A_536 : i32 to vector<16xi32>
    %eq3A_538 = arith.cmpi eq, %and3A_78, %eq3A_537 : vector<16xi32>
    %select_n3A_539 = arith.select %eq3A_538, %gather3A_527, %select_n3A_535 : vector<16xi1>, vector<16xi32>
    %swap3A_540 = arith.constant 192 : index
    %swap3A_541 = tpu.vector_load %arg6[%swap3A_540] {strides = array<i32>} : memref<256xi32, #tpu.memory_space<vmem>>, vector<16xi32>,
    %swap3A_542 = vector.shape_cast %swap3A_541 : vector<16xi32> to vector<16xi32>
    %swap3A_543 = vector.shape_cast %select_n3A_539 : vector<16xi32> to vector<16xi32>
    tpu.vector_store %arg6[%swap3A_540], %swap3A_543 {strides = array<i32>} : memref<256xi32, #tpu.memory_space<vmem>>, vector<16xi32>,
    %add3A_544 = arith.constant 4 : i32
    %add3A_545 = vector.broadcast %add3A_544 : i32 to vector<16xi32>
    %add3A_546 = arith.addi %add3A_545, %shift_right_arithmetic3A_76 : vector<16xi32>
    %broadcast_in_dim3A_547 = vector.shape_cast %add3A_546 : vector<16xi32> to vector<16x1xi32>
    %gather3A_548 = vector.shape_cast %broadcast_in_dim3A_547 : vector<16x1xi32> to vector<16xi32>
    %gather3A_549 = tpu.dynamic_gather %get3A_503[%gather3A_548] in [0] : vector<16xi32>, vector<16xi32> -> vector<16xi32>
    %broadcast_in_dim3A_550 = vector.shape_cast %add3A_546 : vector<16xi32> to vector<16x1xi32>
    %gather3A_551 = vector.shape_cast %broadcast_in_dim3A_550 : vector<16x1xi32> to vector<16xi32>
    %gather3A_552 = tpu.dynamic_gather %get3A_506[%gather3A_551] in [0] : vector<16xi32>, vector<16xi32> -> vector<16xi32>
    %broadcast_in_dim3A_553 = vector.shape_cast %add3A_546 : vector<16xi32> to vector<16x1xi32>
    %gather3A_554 = vector.shape_cast %broadcast_in_dim3A_553 : vector<16x1xi32> to vector<16xi32>
    %gather3A_555 = tpu.dynamic_gather %get3A_509[%gather3A_554] in [0] : vector<16xi32>, vector<16xi32> -> vector<16xi32>
    %broadcast_in_dim3A_556 = vector.shape_cast %add3A_546 : vector<16xi32> to vector<16x1xi32>
    %gather3A_557 = vector.shape_cast %broadcast_in_dim3A_556 : vector<16x1xi32> to vector<16xi32>
    %gather3A_558 = tpu.dynamic_gather %get3A_512[%gather3A_557] in [0] : vector<16xi32>, vector<16xi32> -> vector<16xi32>
    %eq3A_559 = arith.constant 1 : i32
    %eq3A_560 = vector.broadcast %eq3A_559 : i32 to vector<16xi32>
    %eq3A_561 = arith.cmpi eq, %and3A_78, %eq3A_560 : vector<16xi32>
    %select_n3A_562 = arith.select %eq3A_561, %gather3A_552, %gather3A_549 : vector<16xi1>, vector<16xi32>
    %eq3A_563 = arith.constant 2 : i32
    %eq3A_564 = vector.broadcast %eq3A_563 : i32 to vector<16xi32>
    %eq3A_565 = arith.cmpi eq, %and3A_78, %eq3A_564 : vector<16xi32>
    %select_n3A_566 = arith.select %eq3A_565, %gather3A_555, %select_n3A_562 : vector<16xi1>, vector<16xi32>
    %eq3A_567 = arith.constant 3 : i32
    %eq3A_568 = vector.broadcast %eq3A_567 : i32 to vector<16xi32>
    %eq3A_569 = arith.cmpi eq, %and3A_78, %eq3A_568 : vector<16xi32>
    %select_n3A_570 = arith.select %eq3A_569, %gather3A_558, %select_n3A_566 : vector<16xi1>, vector<16xi32>
    %swap3A_571 = arith.constant 208 : index
    %swap3A_572 = tpu.vector_load %arg6[%swap3A_571] {strides = array<i32>} : memref<256xi32, #tpu.memory_space<vmem>>, vector<16xi32>,
    %swap3A_573 = vector.shape_cast %swap3A_572 : vector<16xi32> to vector<16xi32>
    %swap3A_574 = vector.shape_cast %select_n3A_570 : vector<16xi32> to vector<16xi32>
    tpu.vector_store %arg6[%swap3A_571], %swap3A_574 {strides = array<i32>} : memref<256xi32, #tpu.memory_space<vmem>>, vector<16xi32>,
    %add3A_575 = arith.constant 8 : i32
    %add3A_576 = vector.broadcast %add3A_575 : i32 to vector<16xi32>
    %add3A_577 = arith.addi %add3A_576, %shift_right_arithmetic3A_76 : vector<16xi32>
    %broadcast_in_dim3A_578 = vector.shape_cast %add3A_577 : vector<16xi32> to vector<16x1xi32>
    %gather3A_579 = vector.shape_cast %broadcast_in_dim3A_578 : vector<16x1xi32> to vector<16xi32>
    %gather3A_580 = tpu.dynamic_gather %get3A_503[%gather3A_579] in [0] : vector<16xi32>, vector<16xi32> -> vector<16xi32>
    %broadcast_in_dim3A_581 = vector.shape_cast %add3A_577 : vector<16xi32> to vector<16x1xi32>
    %gather3A_582 = vector.shape_cast %broadcast_in_dim3A_581 : vector<16x1xi32> to vector<16xi32>
    %gather3A_583 = tpu.dynamic_gather %get3A_506[%gather3A_582] in [0] : vector<16xi32>, vector<16xi32> -> vector<16xi32>
    %broadcast_in_dim3A_584 = vector.shape_cast %add3A_577 : vector<16xi32> to vector<16x1xi32>
    %gather3A_585 = vector.shape_cast %broadcast_in_dim3A_584 : vector<16x1xi32> to vector<16xi32>
    %gather3A_586 = tpu.dynamic_gather %get3A_509[%gather3A_585] in [0] : vector<16xi32>, vector<16xi32> -> vector<16xi32>
    %broadcast_in_dim3A_587 = vector.shape_cast %add3A_577 : vector<16xi32> to vector<16x1xi32>
    %gather3A_588 = vector.shape_cast %broadcast_in_dim3A_587 : vector<16x1xi32> to vector<16xi32>
    %gather3A_589 = tpu.dynamic_gather %get3A_512[%gather3A_588] in [0] : vector<16xi32>, vector<16xi32> -> vector<16xi32>
    %eq3A_590 = arith.constant 1 : i32
    %eq3A_591 = vector.broadcast %eq3A_590 : i32 to vector<16xi32>
    %eq3A_592 = arith.cmpi eq, %and3A_78, %eq3A_591 : vector<16xi32>
    %select_n3A_593 = arith.select %eq3A_592, %gather3A_583, %gather3A_580 : vector<16xi1>, vector<16xi32>
    %eq3A_594 = arith.constant 2 : i32
    %eq3A_595 = vector.broadcast %eq3A_594 : i32 to vector<16xi32>
    %eq3A_596 = arith.cmpi eq, %and3A_78, %eq3A_595 : vector<16xi32>
    %select_n3A_597 = arith.select %eq3A_596, %gather3A_586, %select_n3A_593 : vector<16xi1>, vector<16xi32>
    %eq3A_598 = arith.constant 3 : i32
    %eq3A_599 = vector.broadcast %eq3A_598 : i32 to vector<16xi32>
    %eq3A_600 = arith.cmpi eq, %and3A_78, %eq3A_599 : vector<16xi32>
    %select_n3A_601 = arith.select %eq3A_600, %gather3A_589, %select_n3A_597 : vector<16xi1>, vector<16xi32>
    %swap3A_602 = arith.constant 224 : index
    %swap3A_603 = tpu.vector_load %arg6[%swap3A_602] {strides = array<i32>} : memref<256xi32, #tpu.memory_space<vmem>>, vector<16xi32>,
    %swap3A_604 = vector.shape_cast %swap3A_603 : vector<16xi32> to vector<16xi32>
    %swap3A_605 = vector.shape_cast %select_n3A_601 : vector<16xi32> to vector<16xi32>
    tpu.vector_store %arg6[%swap3A_602], %swap3A_605 {strides = array<i32>} : memref<256xi32, #tpu.memory_space<vmem>>, vector<16xi32>,
    %add3A_606 = arith.constant 12 : i32
    %add3A_607 = vector.broadcast %add3A_606 : i32 to vector<16xi32>
    %add3A_608 = arith.addi %add3A_607, %shift_right_arithmetic3A_76 : vector<16xi32>
    %broadcast_in_dim3A_609 = vector.shape_cast %add3A_608 : vector<16xi32> to vector<16x1xi32>
    %gather3A_610 = vector.shape_cast %broadcast_in_dim3A_609 : vector<16x1xi32> to vector<16xi32>
    %gather3A_611 = tpu.dynamic_gather %get3A_503[%gather3A_610] in [0] : vector<16xi32>, vector<16xi32> -> vector<16xi32>
    %broadcast_in_dim3A_612 = vector.shape_cast %add3A_608 : vector<16xi32> to vector<16x1xi32>
    %gather3A_613 = vector.shape_cast %broadcast_in_dim3A_612 : vector<16x1xi32> to vector<16xi32>
    %gather3A_614 = tpu.dynamic_gather %get3A_506[%gather3A_613] in [0] : vector<16xi32>, vector<16xi32> -> vector<16xi32>
    %broadcast_in_dim3A_615 = vector.shape_cast %add3A_608 : vector<16xi32> to vector<16x1xi32>
    %gather3A_616 = vector.shape_cast %broadcast_in_dim3A_615 : vector<16x1xi32> to vector<16xi32>
    %gather3A_617 = tpu.dynamic_gather %get3A_509[%gather3A_616] in [0] : vector<16xi32>, vector<16xi32> -> vector<16xi32>
    %broadcast_in_dim3A_618 = vector.shape_cast %add3A_608 : vector<16xi32> to vector<16x1xi32>
    %gather3A_619 = vector.shape_cast %broadcast_in_dim3A_618 : vector<16x1xi32> to vector<16xi32>
    %gather3A_620 = tpu.dynamic_gather %get3A_512[%gather3A_619] in [0] : vector<16xi32>, vector<16xi32> -> vector<16xi32>
    %eq3A_621 = arith.constant 1 : i32
    %eq3A_622 = vector.broadcast %eq3A_621 : i32 to vector<16xi32>
    %eq3A_623 = arith.cmpi eq, %and3A_78, %eq3A_622 : vector<16xi32>
    %select_n3A_624 = arith.select %eq3A_623, %gather3A_614, %gather3A_611 : vector<16xi1>, vector<16xi32>
    %eq3A_625 = arith.constant 2 : i32
    %eq3A_626 = vector.broadcast %eq3A_625 : i32 to vector<16xi32>
    %eq3A_627 = arith.cmpi eq, %and3A_78, %eq3A_626 : vector<16xi32>
    %select_n3A_628 = arith.select %eq3A_627, %gather3A_617, %select_n3A_624 : vector<16xi1>, vector<16xi32>
    %eq3A_629 = arith.constant 3 : i32
    %eq3A_630 = vector.broadcast %eq3A_629 : i32 to vector<16xi32>
    %eq3A_631 = arith.cmpi eq, %and3A_78, %eq3A_630 : vector<16xi32>
    %select_n3A_632 = arith.select %eq3A_631, %gather3A_620, %select_n3A_628 : vector<16xi1>, vector<16xi32>
    %swap3A_633 = arith.constant 240 : index
    %swap3A_634 = tpu.vector_load %arg6[%swap3A_633] {strides = array<i32>} : memref<256xi32, #tpu.memory_space<vmem>>, vector<16xi32>,
    %swap3A_635 = vector.shape_cast %swap3A_634 : vector<16xi32> to vector<16xi32>
    %swap3A_636 = vector.shape_cast %select_n3A_632 : vector<16xi32> to vector<16xi32>
    tpu.vector_store %arg6[%swap3A_633], %swap3A_636 {strides = array<i32>} : memref<256xi32, #tpu.memory_space<vmem>>, vector<16xi32>,
    %dma_wait3A_637 = arith.constant 0 : i32
    %dma_wait3A_638 = arith.constant 0 : i32
    %dma_wait3A_639 = arith.constant 0 : i32
    %dma_wait3A_640 = tpu.memref_slice %arg7[%dma_wait3A_637, %dma_wait3A_638, %dma_wait3A_639] : memref<3x8x4096xf32, #tpu.memory_space<vmem>> -> memref<1x8x4096xf32, #tpu.memory_space<vmem>>
    %dma_wait3A_641 = tpu.memref_squeeze %dma_wait3A_640 : memref<1x8x4096xf32, #tpu.memory_space<vmem>> -> memref<8x4096xf32, #tpu.memory_space<vmem>>
    %dma_wait3A_642 = arith.constant 0 : i32
    %dma_wait3A_643 = tpu.memref_slice %arg6[%dma_wait3A_642] : memref<256xi32, #tpu.memory_space<vmem>> -> memref<8xi32, #tpu.memory_space<vmem>>
    %dma_wait3A_644 = arith.constant 0 : i32
    %dma_wait3A_645 = arith.constant 0 : i32
    %dma_wait3A_646 = tpu.memref_slice %arg3[%dma_wait3A_644, %dma_wait3A_645] : memref<65024x4096xf32, #tpu.memory_space<hbm>> -> memref<65024x4096xf32, #tpu.memory_space<hbm>>
    tpu.wait_indirect_dma semaphore(%arg8 : memref<!tpu.dma_semaphore, #tpu.memory_space<semaphore_mem>>) src(%dma_wait3A_646 : memref<65024x4096xf32, #tpu.memory_space<hbm>>) dst(%dma_wait3A_641 : memref<8x4096xf32, #tpu.memory_space<vmem>>)
    %add3A_647 = arith.constant 0 : i32
    %add3A_648 = arith.addi %mul3A_2, %add3A_647 : i32
    %dma_start3A_649 = arith.constant 0 : i32
    %dma_start3A_650 = arith.constant 0 : i32
    %dma_start3A_651 = arith.constant 0 : i32
    %dma_start3A_652 = tpu.memref_slice %arg7[%dma_start3A_649, %dma_start3A_650, %dma_start3A_651] : memref<3x8x4096xf32, #tpu.memory_space<vmem>> -> memref<1x8x4096xf32, #tpu.memory_space<vmem>>
    %dma_start3A_653 = tpu.memref_squeeze %dma_start3A_652 : memref<1x8x4096xf32, #tpu.memory_space<vmem>> -> memref<8x4096xf32, #tpu.memory_space<vmem>>
    %dma_start3A_654 = tpu.memref_reshape %arg4 : memref<2048x4x4096xf32, #tpu.memory_space<hbm>> -> memref<8192x4096xf32, #tpu.memory_space<hbm>>
    %dma_start3A_655 = arith.constant 0 : i32
    %dma_start3A_656 = tpu.memref_slice %dma_start3A_654[%add3A_648, %dma_start3A_655] : memref<8192x4096xf32, #tpu.memory_space<hbm>> -> memref<8x4096xf32, #tpu.memory_space<hbm>>
    %dma_start3A_657 = tpu.memref_reshape %arg4 : memref<2048x4x4096xf32, #tpu.memory_space<hbm>> -> memref<8192x4096xf32, #tpu.memory_space<hbm>>
    %dma_start3A_658 = arith.constant 0 : i32
    %dma_start3A_659 = tpu.memref_slice %dma_start3A_657[%add3A_648, %dma_start3A_658] : memref<8192x4096xf32, #tpu.memory_space<hbm>> -> memref<8x4096xf32, #tpu.memory_space<hbm>>
    %dma_start3A_660 = arith.constant 0 : i32
    %dma_start3A_661 = arith.constant 0 : i32
    %dma_start3A_662 = tpu.memref_slice %arg7[%dma_start3A_649, %dma_start3A_660, %dma_start3A_661] : memref<3x8x4096xf32, #tpu.memory_space<vmem>> -> memref<1x8x4096xf32, #tpu.memory_space<vmem>>
    %dma_start3A_663 = tpu.memref_squeeze %dma_start3A_662 : memref<1x8x4096xf32, #tpu.memory_space<vmem>> -> memref<8x4096xf32, #tpu.memory_space<vmem>>
    tpu.enqueue_dma source(%dma_start3A_663 : memref<8x4096xf32, #tpu.memory_space<vmem>>) target(%dma_start3A_659 : memref<8x4096xf32, #tpu.memory_space<hbm>>) target_semaphore(%arg9 : memref<!tpu.dma_semaphore, #tpu.memory_space<semaphore_mem>>)
    %dma_start3A_664 = arith.constant 2 : i32
    %dma_start3A_665 = arith.constant 0 : i32
    %dma_start3A_666 = arith.constant 0 : i32
    %dma_start3A_667 = tpu.memref_slice %arg7[%dma_start3A_664, %dma_start3A_665, %dma_start3A_666] : memref<3x8x4096xf32, #tpu.memory_space<vmem>> -> memref<1x8x4096xf32, #tpu.memory_space<vmem>>
    %dma_start3A_668 = tpu.memref_squeeze %dma_start3A_667 : memref<1x8x4096xf32, #tpu.memory_space<vmem>> -> memref<8x4096xf32, #tpu.memory_space<vmem>>
    %dma_start3A_669 = arith.constant 16 : i32
    %dma_start3A_670 = tpu.memref_slice %arg6[%dma_start3A_669] : memref<256xi32, #tpu.memory_space<vmem>> -> memref<8xi32, #tpu.memory_space<vmem>>
    %dma_start3A_671 = arith.constant 0 : i32
    %dma_start3A_672 = arith.constant 0 : i32
    %dma_start3A_673 = tpu.memref_slice %arg3[%dma_start3A_671, %dma_start3A_672] : memref<65024x4096xf32, #tpu.memory_space<hbm>> -> memref<65024x4096xf32, #tpu.memory_space<hbm>>
    tpu.enqueue_indirect_dma source(%dma_start3A_673 : memref<65024x4096xf32, #tpu.memory_space<hbm>>) target(%dma_start3A_668 : memref<8x4096xf32, #tpu.memory_space<vmem>>) offsets(%dma_start3A_670 : memref<8xi32, #tpu.memory_space<vmem>>) semaphore(%arg8 : memref<!tpu.dma_semaphore, #tpu.memory_space<semaphore_mem>>)
    %scan3A = arith.constant 0 : i32
    %scan3A_674 = arith.constant 0 : i32
    %scan3A_675 = arith.constant 9 : i32
    %scan3A_676 = arith.addi %scan3A_674, %scan3A_675 : i32
    %scan3A_677 = arith.constant 1 : i32
    scf.for %scan3A_892 = %scan3A_674 to %scan3A_676 step %scan3A_677  : i32 {
      %mul3A_893 = arith.constant 3 : i32
      %mul3A_894 = arith.muli %scan3A_892, %mul3A_893 : i32
      %add3A_895 = arith.constant 1 : i32
      %add3A_896 = arith.addi %add3A_895, %mul3A_894 : i32
      %add3A_897 = arith.constant 0 : i32
      %add3A_898 = arith.addi %add3A_896, %add3A_897 : i32
      %mul3A_899 = arith.constant 8 : i32
      %mul3A_900 = arith.muli %add3A_898, %mul3A_899 : i32
      %dma_wait3A_901 = arith.constant 1 : i32
      %dma_wait3A_902 = arith.constant 0 : i32
      %dma_wait3A_903 = arith.constant 0 : i32
      %dma_wait3A_904 = tpu.memref_slice %arg7[%dma_wait3A_901, %dma_wait3A_902, %dma_wait3A_903] : memref<3x8x4096xf32, #tpu.memory_space<vmem>> -> memref<1x8x4096xf32, #tpu.memory_space<vmem>>
      %dma_wait3A_905 = tpu.memref_squeeze %dma_wait3A_904 : memref<1x8x4096xf32, #tpu.memory_space<vmem>> -> memref<8x4096xf32, #tpu.memory_space<vmem>>
      %dma_wait3A_906 = tpu.memref_slice %arg6[%mul3A_900] : memref<256xi32, #tpu.memory_space<vmem>> -> memref<8xi32, #tpu.memory_space<vmem>>
      %dma_wait3A_907 = arith.constant 0 : i32
      %dma_wait3A_908 = arith.constant 0 : i32
      %dma_wait3A_909 = tpu.memref_slice %arg3[%dma_wait3A_907, %dma_wait3A_908] : memref<65024x4096xf32, #tpu.memory_space<hbm>> -> memref<65024x4096xf32, #tpu.memory_space<hbm>>
      tpu.wait_indirect_dma semaphore(%arg8 : memref<!tpu.dma_semaphore, #tpu.memory_space<semaphore_mem>>) src(%dma_wait3A_909 : memref<65024x4096xf32, #tpu.memory_space<hbm>>) dst(%dma_wait3A_905 : memref<8x4096xf32, #tpu.memory_space<vmem>>)
      %mul3A_910 = arith.constant 8 : i32
      %mul3A_911 = arith.muli %add3A_898, %mul3A_910 : i32
      %add3A_912 = arith.addi %mul3A_2, %mul3A_911 : i32
      %dma_start3A_913 = arith.constant 1 : i32
      %dma_start3A_914 = arith.constant 0 : i32
      %dma_start3A_915 = arith.constant 0 : i32
      %dma_start3A_916 = tpu.memref_slice %arg7[%dma_start3A_913, %dma_start3A_914, %dma_start3A_915] : memref<3x8x4096xf32, #tpu.memory_space<vmem>> -> memref<1x8x4096xf32, #tpu.memory_space<vmem>>
      %dma_start3A_917 = tpu.memref_squeeze %dma_start3A_916 : memref<1x8x4096xf32, #tpu.memory_space<vmem>> -> memref<8x4096xf32, #tpu.memory_space<vmem>>
      %dma_start3A_918 = tpu.memref_reshape %arg4 : memref<2048x4x4096xf32, #tpu.memory_space<hbm>> -> memref<8192x4096xf32, #tpu.memory_space<hbm>>
      %dma_start3A_919 = arith.constant 0 : i32
      %dma_start3A_920 = tpu.memref_slice %dma_start3A_918[%add3A_912, %dma_start3A_919] : memref<8192x4096xf32, #tpu.memory_space<hbm>> -> memref<8x4096xf32, #tpu.memory_space<hbm>>
      %dma_start3A_921 = tpu.memref_reshape %arg4 : memref<2048x4x4096xf32, #tpu.memory_space<hbm>> -> memref<8192x4096xf32, #tpu.memory_space<hbm>>
      %dma_start3A_922 = arith.constant 0 : i32
      %dma_start3A_923 = tpu.memref_slice %dma_start3A_921[%add3A_912, %dma_start3A_922] : memref<8192x4096xf32, #tpu.memory_space<hbm>> -> memref<8x4096xf32, #tpu.memory_space<hbm>>
      %dma_start3A_924 = arith.constant 0 : i32
      %dma_start3A_925 = arith.constant 0 : i32
      %dma_start3A_926 = tpu.memref_slice %arg7[%dma_start3A_913, %dma_start3A_924, %dma_start3A_925] : memref<3x8x4096xf32, #tpu.memory_space<vmem>> -> memref<1x8x4096xf32, #tpu.memory_space<vmem>>
      %dma_start3A_927 = tpu.memref_squeeze %dma_start3A_926 : memref<1x8x4096xf32, #tpu.memory_space<vmem>> -> memref<8x4096xf32, #tpu.memory_space<vmem>>
      tpu.enqueue_dma source(%dma_start3A_927 : memref<8x4096xf32, #tpu.memory_space<vmem>>) target(%dma_start3A_923 : memref<8x4096xf32, #tpu.memory_space<hbm>>) target_semaphore(%arg9 : memref<!tpu.dma_semaphore, #tpu.memory_space<semaphore_mem>>)
      %sub3A = arith.constant 1 : i32
      %sub3A_928 = arith.subi %add3A_898, %sub3A : i32
      %mul3A_929 = arith.constant 8 : i32
      %mul3A_930 = arith.muli %sub3A_928, %mul3A_929 : i32
      %add3A_931 = arith.addi %mul3A_2, %mul3A_930 : i32
      %dma_wait3A_932 = arith.constant 0 : i32
      %dma_wait3A_933 = arith.constant 0 : i32
      %dma_wait3A_934 = arith.constant 0 : i32
      %dma_wait3A_935 = tpu.memref_slice %arg7[%dma_wait3A_932, %dma_wait3A_933, %dma_wait3A_934] : memref<3x8x4096xf32, #tpu.memory_space<vmem>> -> memref<1x8x4096xf32, #tpu.memory_space<vmem>>
      %dma_wait3A_936 = tpu.memref_squeeze %dma_wait3A_935 : memref<1x8x4096xf32, #tpu.memory_space<vmem>> -> memref<8x4096xf32, #tpu.memory_space<vmem>>
      %dma_wait3A_937 = tpu.memref_reshape %arg4 : memref<2048x4x4096xf32, #tpu.memory_space<hbm>> -> memref<8192x4096xf32, #tpu.memory_space<hbm>>
      %dma_wait3A_938 = arith.constant 0 : i32
      %dma_wait3A_939 = tpu.memref_slice %dma_wait3A_937[%add3A_931, %dma_wait3A_938] : memref<8192x4096xf32, #tpu.memory_space<hbm>> -> memref<8x4096xf32, #tpu.memory_space<hbm>>
      %dma_wait3A_940 = tpu.memref_reshape %arg4 : memref<2048x4x4096xf32, #tpu.memory_space<hbm>> -> memref<8192x4096xf32, #tpu.memory_space<hbm>>
      %dma_wait3A_941 = arith.constant 0 : i32
      %dma_wait3A_942 = tpu.memref_slice %dma_wait3A_940[%add3A_931, %dma_wait3A_941] : memref<8192x4096xf32, #tpu.memory_space<hbm>> -> memref<8x4096xf32, #tpu.memory_space<hbm>>
      %dma_wait3A_943 = arith.constant 0 : i32
      %dma_wait3A_944 = arith.constant 0 : i32
      %dma_wait3A_945 = tpu.memref_slice %arg7[%dma_wait3A_932, %dma_wait3A_943, %dma_wait3A_944] : memref<3x8x4096xf32, #tpu.memory_space<vmem>> -> memref<1x8x4096xf32, #tpu.memory_space<vmem>>
      %dma_wait3A_946 = tpu.memref_squeeze %dma_wait3A_945 : memref<1x8x4096xf32, #tpu.memory_space<vmem>> -> memref<8x4096xf32, #tpu.memory_space<vmem>>
      tpu.wait_dma2 semaphore(%arg9 : memref<!tpu.dma_semaphore, #tpu.memory_space<semaphore_mem>>) src(%dma_wait3A_946 : memref<8x4096xf32, #tpu.memory_space<vmem>>) dst(%dma_wait3A_942 : memref<8x4096xf32, #tpu.memory_space<hbm>>)
      %add3A_947 = arith.constant 2 : i32
      %add3A_948 = arith.addi %add3A_898, %add3A_947 : i32
      %mul3A_949 = arith.constant 8 : i32
      %mul3A_950 = arith.muli %add3A_948, %mul3A_949 : i32
      %dma_start3A_951 = arith.constant 0 : i32
      %dma_start3A_952 = arith.constant 0 : i32
      %dma_start3A_953 = arith.constant 0 : i32
      %dma_start3A_954 = tpu.memref_slice %arg7[%dma_start3A_951, %dma_start3A_952, %dma_start3A_953] : memref<3x8x4096xf32, #tpu.memory_space<vmem>> -> memref<1x8x4096xf32, #tpu.memory_space<vmem>>
      %dma_start3A_955 = tpu.memref_squeeze %dma_start3A_954 : memref<1x8x4096xf32, #tpu.memory_space<vmem>> -> memref<8x4096xf32, #tpu.memory_space<vmem>>
      %dma_start3A_956 = tpu.memref_slice %arg6[%mul3A_950] : memref<256xi32, #tpu.memory_space<vmem>> -> memref<8xi32, #tpu.memory_space<vmem>>
      %dma_start3A_957 = arith.constant 0 : i32
      %dma_start3A_958 = arith.constant 0 : i32
      %dma_start3A_959 = tpu.memref_slice %arg3[%dma_start3A_957, %dma_start3A_958] : memref<65024x4096xf32, #tpu.memory_space<hbm>> -> memref<65024x4096xf32, #tpu.memory_space<hbm>>
      tpu.enqueue_indirect_dma source(%dma_start3A_959 : memref<65024x4096xf32, #tpu.memory_space<hbm>>) target(%dma_start3A_955 : memref<8x4096xf32, #tpu.memory_space<vmem>>) offsets(%dma_start3A_956 : memref<8xi32, #tpu.memory_space<vmem>>) semaphore(%arg8 : memref<!tpu.dma_semaphore, #tpu.memory_space<semaphore_mem>>)
      %add3A_960 = arith.constant 1 : i32
      %add3A_961 = arith.addi %add3A_896, %add3A_960 : i32
      %mul3A_962 = arith.constant 8 : i32
      %mul3A_963 = arith.muli %add3A_961, %mul3A_962 : i32
      %dma_wait3A_964 = arith.constant 2 : i32
      %dma_wait3A_965 = arith.constant 0 : i32
      %dma_wait3A_966 = arith.constant 0 : i32
      %dma_wait3A_967 = tpu.memref_slice %arg7[%dma_wait3A_964, %dma_wait3A_965, %dma_wait3A_966] : memref<3x8x4096xf32, #tpu.memory_space<vmem>> -> memref<1x8x4096xf32, #tpu.memory_space<vmem>>
      %dma_wait3A_968 = tpu.memref_squeeze %dma_wait3A_967 : memref<1x8x4096xf32, #tpu.memory_space<vmem>> -> memref<8x4096xf32, #tpu.memory_space<vmem>>
      %dma_wait3A_969 = tpu.memref_slice %arg6[%mul3A_963] : memref<256xi32, #tpu.memory_space<vmem>> -> memref<8xi32, #tpu.memory_space<vmem>>
      %dma_wait3A_970 = arith.constant 0 : i32
      %dma_wait3A_971 = arith.constant 0 : i32
      %dma_wait3A_972 = tpu.memref_slice %arg3[%dma_wait3A_970, %dma_wait3A_971] : memref<65024x4096xf32, #tpu.memory_space<hbm>> -> memref<65024x4096xf32, #tpu.memory_space<hbm>>
      tpu.wait_indirect_dma semaphore(%arg8 : memref<!tpu.dma_semaphore, #tpu.memory_space<semaphore_mem>>) src(%dma_wait3A_972 : memref<65024x4096xf32, #tpu.memory_space<hbm>>) dst(%dma_wait3A_968 : memref<8x4096xf32, #tpu.memory_space<vmem>>)
      %mul3A_973 = arith.constant 8 : i32
      %mul3A_974 = arith.muli %add3A_961, %mul3A_973 : i32
      %add3A_975 = arith.addi %mul3A_2, %mul3A_974 : i32
      %dma_start3A_976 = arith.constant 2 : i32
      %dma_start3A_977 = arith.constant 0 : i32
      %dma_start3A_978 = arith.constant 0 : i32
      %dma_start3A_979 = tpu.memref_slice %arg7[%dma_start3A_976, %dma_start3A_977, %dma_start3A_978] : memref<3x8x4096xf32, #tpu.memory_space<vmem>> -> memref<1x8x4096xf32, #tpu.memory_space<vmem>>
      %dma_start3A_980 = tpu.memref_squeeze %dma_start3A_979 : memref<1x8x4096xf32, #tpu.memory_space<vmem>> -> memref<8x4096xf32, #tpu.memory_space<vmem>>
      %dma_start3A_981 = tpu.memref_reshape %arg4 : memref<2048x4x4096xf32, #tpu.memory_space<hbm>> -> memref<8192x4096xf32, #tpu.memory_space<hbm>>
      %dma_start3A_982 = arith.constant 0 : i32
      %dma_start3A_983 = tpu.memref_slice %dma_start3A_981[%add3A_975, %dma_start3A_982] : memref<8192x4096xf32, #tpu.memory_space<hbm>> -> memref<8x4096xf32, #tpu.memory_space<hbm>>
      %dma_start3A_984 = tpu.memref_reshape %arg4 : memref<2048x4x4096xf32, #tpu.memory_space<hbm>> -> memref<8192x4096xf32, #tpu.memory_space<hbm>>
      %dma_start3A_985 = arith.constant 0 : i32
      %dma_start3A_986 = tpu.memref_slice %dma_start3A_984[%add3A_975, %dma_start3A_985] : memref<8192x4096xf32, #tpu.memory_space<hbm>> -> memref<8x4096xf32, #tpu.memory_space<hbm>>
      %dma_start3A_987 = arith.constant 0 : i32
      %dma_start3A_988 = arith.constant 0 : i32
      %dma_start3A_989 = tpu.memref_slice %arg7[%dma_start3A_976, %dma_start3A_987, %dma_start3A_988] : memref<3x8x4096xf32, #tpu.memory_space<vmem>> -> memref<1x8x4096xf32, #tpu.memory_space<vmem>>
      %dma_start3A_990 = tpu.memref_squeeze %dma_start3A_989 : memref<1x8x4096xf32, #tpu.memory_space<vmem>> -> memref<8x4096xf32, #tpu.memory_space<vmem>>
      tpu.enqueue_dma source(%dma_start3A_990 : memref<8x4096xf32, #tpu.memory_space<vmem>>) target(%dma_start3A_986 : memref<8x4096xf32, #tpu.memory_space<hbm>>) target_semaphore(%arg9 : memref<!tpu.dma_semaphore, #tpu.memory_space<semaphore_mem>>)
      %sub3A_991 = arith.constant 1 : i32
      %sub3A_992 = arith.subi %add3A_961, %sub3A_991 : i32
      %mul3A_993 = arith.constant 8 : i32
      %mul3A_994 = arith.muli %sub3A_992, %mul3A_993 : i32
      %add3A_995 = arith.addi %mul3A_2, %mul3A_994 : i32
      %dma_wait3A_996 = arith.constant 1 : i32
      %dma_wait3A_997 = arith.constant 0 : i32
      %dma_wait3A_998 = arith.constant 0 : i32
      %dma_wait3A_999 = tpu.memref_slice %arg7[%dma_wait3A_996, %dma_wait3A_997, %dma_wait3A_998] : memref<3x8x4096xf32, #tpu.memory_space<vmem>> -> memref<1x8x4096xf32, #tpu.memory_space<vmem>>
      %dma_wait3A_1000 = tpu.memref_squeeze %dma_wait3A_999 : memref<1x8x4096xf32, #tpu.memory_space<vmem>> -> memref<8x4096xf32, #tpu.memory_space<vmem>>
      %dma_wait3A_1001 = tpu.memref_reshape %arg4 : memref<2048x4x4096xf32, #tpu.memory_space<hbm>> -> memref<8192x4096xf32, #tpu.memory_space<hbm>>
      %dma_wait3A_1002 = arith.constant 0 : i32
      %dma_wait3A_1003 = tpu.memref_slice %dma_wait3A_1001[%add3A_995, %dma_wait3A_1002] : memref<8192x4096xf32, #tpu.memory_space<hbm>> -> memref<8x4096xf32, #tpu.memory_space<hbm>>
      %dma_wait3A_1004 = tpu.memref_reshape %arg4 : memref<2048x4x4096xf32, #tpu.memory_space<hbm>> -> memref<8192x4096xf32, #tpu.memory_space<hbm>>
      %dma_wait3A_1005 = arith.constant 0 : i32
      %dma_wait3A_1006 = tpu.memref_slice %dma_wait3A_1004[%add3A_995, %dma_wait3A_1005] : memref<8192x4096xf32, #tpu.memory_space<hbm>> -> memref<8x4096xf32, #tpu.memory_space<hbm>>
      %dma_wait3A_1007 = arith.constant 0 : i32
      %dma_wait3A_1008 = arith.constant 0 : i32
      %dma_wait3A_1009 = tpu.memref_slice %arg7[%dma_wait3A_996, %dma_wait3A_1007, %dma_wait3A_1008] : memref<3x8x4096xf32, #tpu.memory_space<vmem>> -> memref<1x8x4096xf32, #tpu.memory_space<vmem>>
      %dma_wait3A_1010 = tpu.memref_squeeze %dma_wait3A_1009 : memref<1x8x4096xf32, #tpu.memory_space<vmem>> -> memref<8x4096xf32, #tpu.memory_space<vmem>>
      tpu.wait_dma2 semaphore(%arg9 : memref<!tpu.dma_semaphore, #tpu.memory_space<semaphore_mem>>) src(%dma_wait3A_1010 : memref<8x4096xf32, #tpu.memory_space<vmem>>) dst(%dma_wait3A_1006 : memref<8x4096xf32, #tpu.memory_space<hbm>>)
      %add3A_1011 = arith.constant 2 : i32
      %add3A_1012 = arith.addi %add3A_961, %add3A_1011 : i32
      %mul3A_1013 = arith.constant 8 : i32
      %mul3A_1014 = arith.muli %add3A_1012, %mul3A_1013 : i32
      %dma_start3A_1015 = arith.constant 1 : i32
      %dma_start3A_1016 = arith.constant 0 : i32
      %dma_start3A_1017 = arith.constant 0 : i32
      %dma_start3A_1018 = tpu.memref_slice %arg7[%dma_start3A_1015, %dma_start3A_1016, %dma_start3A_1017] : memref<3x8x4096xf32, #tpu.memory_space<vmem>> -> memref<1x8x4096xf32, #tpu.memory_space<vmem>>
      %dma_start3A_1019 = tpu.memref_squeeze %dma_start3A_1018 : memref<1x8x4096xf32, #tpu.memory_space<vmem>> -> memref<8x4096xf32, #tpu.memory_space<vmem>>
      %dma_start3A_1020 = tpu.memref_slice %arg6[%mul3A_1014] : memref<256xi32, #tpu.memory_space<vmem>> -> memref<8xi32, #tpu.memory_space<vmem>>
      %dma_start3A_1021 = arith.constant 0 : i32
      %dma_start3A_1022 = arith.constant 0 : i32
      %dma_start3A_1023 = tpu.memref_slice %arg3[%dma_start3A_1021, %dma_start3A_1022] : memref<65024x4096xf32, #tpu.memory_space<hbm>> -> memref<65024x4096xf32, #tpu.memory_space<hbm>>
      tpu.enqueue_indirect_dma source(%dma_start3A_1023 : memref<65024x4096xf32, #tpu.memory_space<hbm>>) target(%dma_start3A_1019 : memref<8x4096xf32, #tpu.memory_space<vmem>>) offsets(%dma_start3A_1020 : memref<8xi32, #tpu.memory_space<vmem>>) semaphore(%arg8 : memref<!tpu.dma_semaphore, #tpu.memory_space<semaphore_mem>>)
      %add3A_1024 = arith.constant 2 : i32
      %add3A_1025 = arith.addi %add3A_896, %add3A_1024 : i32
      %mul3A_1026 = arith.constant 8 : i32
      %mul3A_1027 = arith.muli %add3A_1025, %mul3A_1026 : i32
      %dma_wait3A_1028 = arith.constant 0 : i32
      %dma_wait3A_1029 = arith.constant 0 : i32
      %dma_wait3A_1030 = arith.constant 0 : i32
      %dma_wait3A_1031 = tpu.memref_slice %arg7[%dma_wait3A_1028, %dma_wait3A_1029, %dma_wait3A_1030] : memref<3x8x4096xf32, #tpu.memory_space<vmem>> -> memref<1x8x4096xf32, #tpu.memory_space<vmem>>
      %dma_wait3A_1032 = tpu.memref_squeeze %dma_wait3A_1031 : memref<1x8x4096xf32, #tpu.memory_space<vmem>> -> memref<8x4096xf32, #tpu.memory_space<vmem>>
      %dma_wait3A_1033 = tpu.memref_slice %arg6[%mul3A_1027] : memref<256xi32, #tpu.memory_space<vmem>> -> memref<8xi32, #tpu.memory_space<vmem>>
      %dma_wait3A_1034 = arith.constant 0 : i32
      %dma_wait3A_1035 = arith.constant 0 : i32
      %dma_wait3A_1036 = tpu.memref_slice %arg3[%dma_wait3A_1034, %dma_wait3A_1035] : memref<65024x4096xf32, #tpu.memory_space<hbm>> -> memref<65024x4096xf32, #tpu.memory_space<hbm>>
      tpu.wait_indirect_dma semaphore(%arg8 : memref<!tpu.dma_semaphore, #tpu.memory_space<semaphore_mem>>) src(%dma_wait3A_1036 : memref<65024x4096xf32, #tpu.memory_space<hbm>>) dst(%dma_wait3A_1032 : memref<8x4096xf32, #tpu.memory_space<vmem>>)
      %mul3A_1037 = arith.constant 8 : i32
      %mul3A_1038 = arith.muli %add3A_1025, %mul3A_1037 : i32
      %add3A_1039 = arith.addi %mul3A_2, %mul3A_1038 : i32
      %dma_start3A_1040 = arith.constant 0 : i32
      %dma_start3A_1041 = arith.constant 0 : i32
      %dma_start3A_1042 = arith.constant 0 : i32
      %dma_start3A_1043 = tpu.memref_slice %arg7[%dma_start3A_1040, %dma_start3A_1041, %dma_start3A_1042] : memref<3x8x4096xf32, #tpu.memory_space<vmem>> -> memref<1x8x4096xf32, #tpu.memory_space<vmem>>
      %dma_start3A_1044 = tpu.memref_squeeze %dma_start3A_1043 : memref<1x8x4096xf32, #tpu.memory_space<vmem>> -> memref<8x4096xf32, #tpu.memory_space<vmem>>
      %dma_start3A_1045 = tpu.memref_reshape %arg4 : memref<2048x4x4096xf32, #tpu.memory_space<hbm>> -> memref<8192x4096xf32, #tpu.memory_space<hbm>>
      %dma_start3A_1046 = arith.constant 0 : i32
      %dma_start3A_1047 = tpu.memref_slice %dma_start3A_1045[%add3A_1039, %dma_start3A_1046] : memref<8192x4096xf32, #tpu.memory_space<hbm>> -> memref<8x4096xf32, #tpu.memory_space<hbm>>
      %dma_start3A_1048 = tpu.memref_reshape %arg4 : memref<2048x4x4096xf32, #tpu.memory_space<hbm>> -> memref<8192x4096xf32, #tpu.memory_space<hbm>>
      %dma_start3A_1049 = arith.constant 0 : i32
      %dma_start3A_1050 = tpu.memref_slice %dma_start3A_1048[%add3A_1039, %dma_start3A_1049] : memref<8192x4096xf32, #tpu.memory_space<hbm>> -> memref<8x4096xf32, #tpu.memory_space<hbm>>
      %dma_start3A_1051 = arith.constant 0 : i32
      %dma_start3A_1052 = arith.constant 0 : i32
      %dma_start3A_1053 = tpu.memref_slice %arg7[%dma_start3A_1040, %dma_start3A_1051, %dma_start3A_1052] : memref<3x8x4096xf32, #tpu.memory_space<vmem>> -> memref<1x8x4096xf32, #tpu.memory_space<vmem>>
      %dma_start3A_1054 = tpu.memref_squeeze %dma_start3A_1053 : memref<1x8x4096xf32, #tpu.memory_space<vmem>> -> memref<8x4096xf32, #tpu.memory_space<vmem>>
      tpu.enqueue_dma source(%dma_start3A_1054 : memref<8x4096xf32, #tpu.memory_space<vmem>>) target(%dma_start3A_1050 : memref<8x4096xf32, #tpu.memory_space<hbm>>) target_semaphore(%arg9 : memref<!tpu.dma_semaphore, #tpu.memory_space<semaphore_mem>>)
      %sub3A_1055 = arith.constant 1 : i32
      %sub3A_1056 = arith.subi %add3A_1025, %sub3A_1055 : i32
      %mul3A_1057 = arith.constant 8 : i32
      %mul3A_1058 = arith.muli %sub3A_1056, %mul3A_1057 : i32
      %add3A_1059 = arith.addi %mul3A_2, %mul3A_1058 : i32
      %dma_wait3A_1060 = arith.constant 2 : i32
      %dma_wait3A_1061 = arith.constant 0 : i32
      %dma_wait3A_1062 = arith.constant 0 : i32
      %dma_wait3A_1063 = tpu.memref_slice %arg7[%dma_wait3A_1060, %dma_wait3A_1061, %dma_wait3A_1062] : memref<3x8x4096xf32, #tpu.memory_space<vmem>> -> memref<1x8x4096xf32, #tpu.memory_space<vmem>>
      %dma_wait3A_1064 = tpu.memref_squeeze %dma_wait3A_1063 : memref<1x8x4096xf32, #tpu.memory_space<vmem>> -> memref<8x4096xf32, #tpu.memory_space<vmem>>
      %dma_wait3A_1065 = tpu.memref_reshape %arg4 : memref<2048x4x4096xf32, #tpu.memory_space<hbm>> -> memref<8192x4096xf32, #tpu.memory_space<hbm>>
      %dma_wait3A_1066 = arith.constant 0 : i32
      %dma_wait3A_1067 = tpu.memref_slice %dma_wait3A_1065[%add3A_1059, %dma_wait3A_1066] : memref<8192x4096xf32, #tpu.memory_space<hbm>> -> memref<8x4096xf32, #tpu.memory_space<hbm>>
      %dma_wait3A_1068 = tpu.memref_reshape %arg4 : memref<2048x4x4096xf32, #tpu.memory_space<hbm>> -> memref<8192x4096xf32, #tpu.memory_space<hbm>>
      %dma_wait3A_1069 = arith.constant 0 : i32
      %dma_wait3A_1070 = tpu.memref_slice %dma_wait3A_1068[%add3A_1059, %dma_wait3A_1069] : memref<8192x4096xf32, #tpu.memory_space<hbm>> -> memref<8x4096xf32, #tpu.memory_space<hbm>>
      %dma_wait3A_1071 = arith.constant 0 : i32
      %dma_wait3A_1072 = arith.constant 0 : i32
      %dma_wait3A_1073 = tpu.memref_slice %arg7[%dma_wait3A_1060, %dma_wait3A_1071, %dma_wait3A_1072] : memref<3x8x4096xf32, #tpu.memory_space<vmem>> -> memref<1x8x4096xf32, #tpu.memory_space<vmem>>
      %dma_wait3A_1074 = tpu.memref_squeeze %dma_wait3A_1073 : memref<1x8x4096xf32, #tpu.memory_space<vmem>> -> memref<8x4096xf32, #tpu.memory_space<vmem>>
      tpu.wait_dma2 semaphore(%arg9 : memref<!tpu.dma_semaphore, #tpu.memory_space<semaphore_mem>>) src(%dma_wait3A_1074 : memref<8x4096xf32, #tpu.memory_space<vmem>>) dst(%dma_wait3A_1070 : memref<8x4096xf32, #tpu.memory_space<hbm>>)
      %add3A_1075 = arith.constant 2 : i32
      %add3A_1076 = arith.addi %add3A_1025, %add3A_1075 : i32
      %mul3A_1077 = arith.constant 8 : i32
      %mul3A_1078 = arith.muli %add3A_1076, %mul3A_1077 : i32
      %dma_start3A_1079 = arith.constant 2 : i32
      %dma_start3A_1080 = arith.constant 0 : i32
      %dma_start3A_1081 = arith.constant 0 : i32
      %dma_start3A_1082 = tpu.memref_slice %arg7[%dma_start3A_1079, %dma_start3A_1080, %dma_start3A_1081] : memref<3x8x4096xf32, #tpu.memory_space<vmem>> -> memref<1x8x4096xf32, #tpu.memory_space<vmem>>
      %dma_start3A_1083 = tpu.memref_squeeze %dma_start3A_1082 : memref<1x8x4096xf32, #tpu.memory_space<vmem>> -> memref<8x4096xf32, #tpu.memory_space<vmem>>
      %dma_start3A_1084 = tpu.memref_slice %arg6[%mul3A_1078] : memref<256xi32, #tpu.memory_space<vmem>> -> memref<8xi32, #tpu.memory_space<vmem>>
      %dma_start3A_1085 = arith.constant 0 : i32
      %dma_start3A_1086 = arith.constant 0 : i32
      %dma_start3A_1087 = tpu.memref_slice %arg3[%dma_start3A_1085, %dma_start3A_1086] : memref<65024x4096xf32, #tpu.memory_space<hbm>> -> memref<65024x4096xf32, #tpu.memory_space<hbm>>
      tpu.enqueue_indirect_dma source(%dma_start3A_1087 : memref<65024x4096xf32, #tpu.memory_space<hbm>>) target(%dma_start3A_1083 : memref<8x4096xf32, #tpu.memory_space<vmem>>) offsets(%dma_start3A_1084 : memref<8xi32, #tpu.memory_space<vmem>>) semaphore(%arg8 : memref<!tpu.dma_semaphore, #tpu.memory_space<semaphore_mem>>)
    }
    %scan3A_678 = arith.constant 9 : i32
    %dma_wait3A_679 = arith.constant 1 : i32
    %dma_wait3A_680 = arith.constant 0 : i32
    %dma_wait3A_681 = arith.constant 0 : i32
    %dma_wait3A_682 = tpu.memref_slice %arg7[%dma_wait3A_679, %dma_wait3A_680, %dma_wait3A_681] : memref<3x8x4096xf32, #tpu.memory_space<vmem>> -> memref<1x8x4096xf32, #tpu.memory_space<vmem>>
    %dma_wait3A_683 = tpu.memref_squeeze %dma_wait3A_682 : memref<1x8x4096xf32, #tpu.memory_space<vmem>> -> memref<8x4096xf32, #tpu.memory_space<vmem>>
    %dma_wait3A_684 = arith.constant 224 : i32
    %dma_wait3A_685 = tpu.memref_slice %arg6[%dma_wait3A_684] : memref<256xi32, #tpu.memory_space<vmem>> -> memref<8xi32, #tpu.memory_space<vmem>>
    %dma_wait3A_686 = arith.constant 0 : i32
    %dma_wait3A_687 = arith.constant 0 : i32
    %dma_wait3A_688 = tpu.memref_slice %arg3[%dma_wait3A_686, %dma_wait3A_687] : memref<65024x4096xf32, #tpu.memory_space<hbm>> -> memref<65024x4096xf32, #tpu.memory_space<hbm>>
    tpu.wait_indirect_dma semaphore(%arg8 : memref<!tpu.dma_semaphore, #tpu.memory_space<semaphore_mem>>) src(%dma_wait3A_688 : memref<65024x4096xf32, #tpu.memory_space<hbm>>) dst(%dma_wait3A_683 : memref<8x4096xf32, #tpu.memory_space<vmem>>)
    %add3A_689 = arith.constant 224 : i32
    %add3A_690 = arith.addi %mul3A_2, %add3A_689 : i32
    %dma_start3A_691 = arith.constant 1 : i32
    %dma_start3A_692 = arith.constant 0 : i32
    %dma_start3A_693 = arith.constant 0 : i32
    %dma_start3A_694 = tpu.memref_slice %arg7[%dma_start3A_691, %dma_start3A_692, %dma_start3A_693] : memref<3x8x4096xf32, #tpu.memory_space<vmem>> -> memref<1x8x4096xf32, #tpu.memory_space<vmem>>
    %dma_start3A_695 = tpu.memref_squeeze %dma_start3A_694 : memref<1x8x4096xf32, #tpu.memory_space<vmem>> -> memref<8x4096xf32, #tpu.memory_space<vmem>>
    %dma_start3A_696 = tpu.memref_reshape %arg4 : memref<2048x4x4096xf32, #tpu.memory_space<hbm>> -> memref<8192x4096xf32, #tpu.memory_space<hbm>>
    %dma_start3A_697 = arith.constant 0 : i32
    %dma_start3A_698 = tpu.memref_slice %dma_start3A_696[%add3A_690, %dma_start3A_697] : memref<8192x4096xf32, #tpu.memory_space<hbm>> -> memref<8x4096xf32, #tpu.memory_space<hbm>>
    %dma_start3A_699 = tpu.memref_reshape %arg4 : memref<2048x4x4096xf32, #tpu.memory_space<hbm>> -> memref<8192x4096xf32, #tpu.memory_space<hbm>>
    %dma_start3A_700 = arith.constant 0 : i32
    %dma_start3A_701 = tpu.memref_slice %dma_start3A_699[%add3A_690, %dma_start3A_700] : memref<8192x4096xf32, #tpu.memory_space<hbm>> -> memref<8x4096xf32, #tpu.memory_space<hbm>>
    %dma_start3A_702 = arith.constant 0 : i32
    %dma_start3A_703 = arith.constant 0 : i32
    %dma_start3A_704 = tpu.memref_slice %arg7[%dma_start3A_691, %dma_start3A_702, %dma_start3A_703] : memref<3x8x4096xf32, #tpu.memory_space<vmem>> -> memref<1x8x4096xf32, #tpu.memory_space<vmem>>
    %dma_start3A_705 = tpu.memref_squeeze %dma_start3A_704 : memref<1x8x4096xf32, #tpu.memory_space<vmem>> -> memref<8x4096xf32, #tpu.memory_space<vmem>>
    tpu.enqueue_dma source(%dma_start3A_705 : memref<8x4096xf32, #tpu.memory_space<vmem>>) target(%dma_start3A_701 : memref<8x4096xf32, #tpu.memory_space<hbm>>) target_semaphore(%arg9 : memref<!tpu.dma_semaphore, #tpu.memory_space<semaphore_mem>>)
    %add3A_706 = arith.constant 216 : i32
    %add3A_707 = arith.addi %mul3A_2, %add3A_706 : i32
    %dma_wait3A_708 = arith.constant 0 : i32
    %dma_wait3A_709 = arith.constant 0 : i32
    %dma_wait3A_710 = arith.constant 0 : i32
    %dma_wait3A_711 = tpu.memref_slice %arg7[%dma_wait3A_708, %dma_wait3A_709, %dma_wait3A_710] : memref<3x8x4096xf32, #tpu.memory_space<vmem>> -> memref<1x8x4096xf32, #tpu.memory_space<vmem>>
    %dma_wait3A_712 = tpu.memref_squeeze %dma_wait3A_711 : memref<1x8x4096xf32, #tpu.memory_space<vmem>> -> memref<8x4096xf32, #tpu.memory_space<vmem>>
    %dma_wait3A_713 = tpu.memref_reshape %arg4 : memref<2048x4x4096xf32, #tpu.memory_space<hbm>> -> memref<8192x4096xf32, #tpu.memory_space<hbm>>
    %dma_wait3A_714 = arith.constant 0 : i32
    %dma_wait3A_715 = tpu.memref_slice %dma_wait3A_713[%add3A_707, %dma_wait3A_714] : memref<8192x4096xf32, #tpu.memory_space<hbm>> -> memref<8x4096xf32, #tpu.memory_space<hbm>>
    %dma_wait3A_716 = tpu.memref_reshape %arg4 : memref<2048x4x4096xf32, #tpu.memory_space<hbm>> -> memref<8192x4096xf32, #tpu.memory_space<hbm>>
    %dma_wait3A_717 = arith.constant 0 : i32
    %dma_wait3A_718 = tpu.memref_slice %dma_wait3A_716[%add3A_707, %dma_wait3A_717] : memref<8192x4096xf32, #tpu.memory_space<hbm>> -> memref<8x4096xf32, #tpu.memory_space<hbm>>
    %dma_wait3A_719 = arith.constant 0 : i32
    %dma_wait3A_720 = arith.constant 0 : i32
    %dma_wait3A_721 = tpu.memref_slice %arg7[%dma_wait3A_708, %dma_wait3A_719, %dma_wait3A_720] : memref<3x8x4096xf32, #tpu.memory_space<vmem>> -> memref<1x8x4096xf32, #tpu.memory_space<vmem>>
    %dma_wait3A_722 = tpu.memref_squeeze %dma_wait3A_721 : memref<1x8x4096xf32, #tpu.memory_space<vmem>> -> memref<8x4096xf32, #tpu.memory_space<vmem>>
    tpu.wait_dma2 semaphore(%arg9 : memref<!tpu.dma_semaphore, #tpu.memory_space<semaphore_mem>>) src(%dma_wait3A_722 : memref<8x4096xf32, #tpu.memory_space<vmem>>) dst(%dma_wait3A_718 : memref<8x4096xf32, #tpu.memory_space<hbm>>)
    %dma_start3A_723 = arith.constant 0 : i32
    %dma_start3A_724 = arith.constant 0 : i32
    %dma_start3A_725 = arith.constant 0 : i32
    %dma_start3A_726 = tpu.memref_slice %arg7[%dma_start3A_723, %dma_start3A_724, %dma_start3A_725] : memref<3x8x4096xf32, #tpu.memory_space<vmem>> -> memref<1x8x4096xf32, #tpu.memory_space<vmem>>
    %dma_start3A_727 = tpu.memref_squeeze %dma_start3A_726 : memref<1x8x4096xf32, #tpu.memory_space<vmem>> -> memref<8x4096xf32, #tpu.memory_space<vmem>>
    %dma_start3A_728 = arith.constant 240 : i32
    %dma_start3A_729 = tpu.memref_slice %arg6[%dma_start3A_728] : memref<256xi32, #tpu.memory_space<vmem>> -> memref<8xi32, #tpu.memory_space<vmem>>
    %dma_start3A_730 = arith.constant 0 : i32
    %dma_start3A_731 = arith.constant 0 : i32
    %dma_start3A_732 = tpu.memref_slice %arg3[%dma_start3A_730, %dma_start3A_731] : memref<65024x4096xf32, #tpu.memory_space<hbm>> -> memref<65024x4096xf32, #tpu.memory_space<hbm>>
    tpu.enqueue_indirect_dma source(%dma_start3A_732 : memref<65024x4096xf32, #tpu.memory_space<hbm>>) target(%dma_start3A_727 : memref<8x4096xf32, #tpu.memory_space<vmem>>) offsets(%dma_start3A_729 : memref<8xi32, #tpu.memory_space<vmem>>) semaphore(%arg8 : memref<!tpu.dma_semaphore, #tpu.memory_space<semaphore_mem>>)
    %dma_wait3A_733 = arith.constant 2 : i32
    %dma_wait3A_734 = arith.constant 0 : i32
    %dma_wait3A_735 = arith.constant 0 : i32
    %dma_wait3A_736 = tpu.memref_slice %arg7[%dma_wait3A_733, %dma_wait3A_734, %dma_wait3A_735] : memref<3x8x4096xf32, #tpu.memory_space<vmem>> -> memref<1x8x4096xf32, #tpu.memory_space<vmem>>
    %dma_wait3A_737 = tpu.memref_squeeze %dma_wait3A_736 : memref<1x8x4096xf32, #tpu.memory_space<vmem>> -> memref<8x4096xf32, #tpu.memory_space<vmem>>
    %dma_wait3A_738 = arith.constant 232 : i32
    %dma_wait3A_739 = tpu.memref_slice %arg6[%dma_wait3A_738] : memref<256xi32, #tpu.memory_space<vmem>> -> memref<8xi32, #tpu.memory_space<vmem>>
    %dma_wait3A_740 = arith.constant 0 : i32
    %dma_wait3A_741 = arith.constant 0 : i32
    %dma_wait3A_742 = tpu.memref_slice %arg3[%dma_wait3A_740, %dma_wait3A_741] : memref<65024x4096xf32, #tpu.memory_space<hbm>> -> memref<65024x4096xf32, #tpu.memory_space<hbm>>
    tpu.wait_indirect_dma semaphore(%arg8 : memref<!tpu.dma_semaphore, #tpu.memory_space<semaphore_mem>>) src(%dma_wait3A_742 : memref<65024x4096xf32, #tpu.memory_space<hbm>>) dst(%dma_wait3A_737 : memref<8x4096xf32, #tpu.memory_space<vmem>>)
    %add3A_743 = arith.constant 232 : i32
    %add3A_744 = arith.addi %mul3A_2, %add3A_743 : i32
    %dma_start3A_745 = arith.constant 2 : i32
    %dma_start3A_746 = arith.constant 0 : i32
    %dma_start3A_747 = arith.constant 0 : i32
    %dma_start3A_748 = tpu.memref_slice %arg7[%dma_start3A_745, %dma_start3A_746, %dma_start3A_747] : memref<3x8x4096xf32, #tpu.memory_space<vmem>> -> memref<1x8x4096xf32, #tpu.memory_space<vmem>>
    %dma_start3A_749 = tpu.memref_squeeze %dma_start3A_748 : memref<1x8x4096xf32, #tpu.memory_space<vmem>> -> memref<8x4096xf32, #tpu.memory_space<vmem>>
    %dma_start3A_750 = tpu.memref_reshape %arg4 : memref<2048x4x4096xf32, #tpu.memory_space<hbm>> -> memref<8192x4096xf32, #tpu.memory_space<hbm>>
    %dma_start3A_751 = arith.constant 0 : i32
    %dma_start3A_752 = tpu.memref_slice %dma_start3A_750[%add3A_744, %dma_start3A_751] : memref<8192x4096xf32, #tpu.memory_space<hbm>> -> memref<8x4096xf32, #tpu.memory_space<hbm>>
    %dma_start3A_753 = tpu.memref_reshape %arg4 : memref<2048x4x4096xf32, #tpu.memory_space<hbm>> -> memref<8192x4096xf32, #tpu.memory_space<hbm>>
    %dma_start3A_754 = arith.constant 0 : i32
    %dma_start3A_755 = tpu.memref_slice %dma_start3A_753[%add3A_744, %dma_start3A_754] : memref<8192x4096xf32, #tpu.memory_space<hbm>> -> memref<8x4096xf32, #tpu.memory_space<hbm>>
    %dma_start3A_756 = arith.constant 0 : i32
    %dma_start3A_757 = arith.constant 0 : i32
    %dma_start3A_758 = tpu.memref_slice %arg7[%dma_start3A_745, %dma_start3A_756, %dma_start3A_757] : memref<3x8x4096xf32, #tpu.memory_space<vmem>> -> memref<1x8x4096xf32, #tpu.memory_space<vmem>>
    %dma_start3A_759 = tpu.memref_squeeze %dma_start3A_758 : memref<1x8x4096xf32, #tpu.memory_space<vmem>> -> memref<8x4096xf32, #tpu.memory_space<vmem>>
    tpu.enqueue_dma source(%dma_start3A_759 : memref<8x4096xf32, #tpu.memory_space<vmem>>) target(%dma_start3A_755 : memref<8x4096xf32, #tpu.memory_space<hbm>>) target_semaphore(%arg9 : memref<!tpu.dma_semaphore, #tpu.memory_space<semaphore_mem>>)
    %add3A_760 = arith.constant 224 : i32
    %add3A_761 = arith.addi %mul3A_2, %add3A_760 : i32
    %dma_wait3A_762 = arith.constant 1 : i32
    %dma_wait3A_763 = arith.constant 0 : i32
    %dma_wait3A_764 = arith.constant 0 : i32
    %dma_wait3A_765 = tpu.memref_slice %arg7[%dma_wait3A_762, %dma_wait3A_763, %dma_wait3A_764] : memref<3x8x4096xf32, #tpu.memory_space<vmem>> -> memref<1x8x4096xf32, #tpu.memory_space<vmem>>
    %dma_wait3A_766 = tpu.memref_squeeze %dma_wait3A_765 : memref<1x8x4096xf32, #tpu.memory_space<vmem>> -> memref<8x4096xf32, #tpu.memory_space<vmem>>
    %dma_wait3A_767 = tpu.memref_reshape %arg4 : memref<2048x4x4096xf32, #tpu.memory_space<hbm>> -> memref<8192x4096xf32, #tpu.memory_space<hbm>>
    %dma_wait3A_768 = arith.constant 0 : i32
    %dma_wait3A_769 = tpu.memref_slice %dma_wait3A_767[%add3A_761, %dma_wait3A_768] : memref<8192x4096xf32, #tpu.memory_space<hbm>> -> memref<8x4096xf32, #tpu.memory_space<hbm>>
    %dma_wait3A_770 = tpu.memref_reshape %arg4 : memref<2048x4x4096xf32, #tpu.memory_space<hbm>> -> memref<8192x4096xf32, #tpu.memory_space<hbm>>
    %dma_wait3A_771 = arith.constant 0 : i32
    %dma_wait3A_772 = tpu.memref_slice %dma_wait3A_770[%add3A_761, %dma_wait3A_771] : memref<8192x4096xf32, #tpu.memory_space<hbm>> -> memref<8x4096xf32, #tpu.memory_space<hbm>>
    %dma_wait3A_773 = arith.constant 0 : i32
    %dma_wait3A_774 = arith.constant 0 : i32
    %dma_wait3A_775 = tpu.memref_slice %arg7[%dma_wait3A_762, %dma_wait3A_773, %dma_wait3A_774] : memref<3x8x4096xf32, #tpu.memory_space<vmem>> -> memref<1x8x4096xf32, #tpu.memory_space<vmem>>
    %dma_wait3A_776 = tpu.memref_squeeze %dma_wait3A_775 : memref<1x8x4096xf32, #tpu.memory_space<vmem>> -> memref<8x4096xf32, #tpu.memory_space<vmem>>
    tpu.wait_dma2 semaphore(%arg9 : memref<!tpu.dma_semaphore, #tpu.memory_space<semaphore_mem>>) src(%dma_wait3A_776 : memref<8x4096xf32, #tpu.memory_space<vmem>>) dst(%dma_wait3A_772 : memref<8x4096xf32, #tpu.memory_space<hbm>>)
    %dma_start3A_777 = arith.constant 1 : i32
    %dma_start3A_778 = arith.constant 0 : i32
    %dma_start3A_779 = arith.constant 0 : i32
    %dma_start3A_780 = tpu.memref_slice %arg7[%dma_start3A_777, %dma_start3A_778, %dma_start3A_779] : memref<3x8x4096xf32, #tpu.memory_space<vmem>> -> memref<1x8x4096xf32, #tpu.memory_space<vmem>>
    %dma_start3A_781 = tpu.memref_squeeze %dma_start3A_780 : memref<1x8x4096xf32, #tpu.memory_space<vmem>> -> memref<8x4096xf32, #tpu.memory_space<vmem>>
    %dma_start3A_782 = arith.constant 248 : i32
    %dma_start3A_783 = tpu.memref_slice %arg6[%dma_start3A_782] : memref<256xi32, #tpu.memory_space<vmem>> -> memref<8xi32, #tpu.memory_space<vmem>>
    %dma_start3A_784 = arith.constant 0 : i32
    %dma_start3A_785 = arith.constant 0 : i32
    %dma_start3A_786 = tpu.memref_slice %arg3[%dma_start3A_784, %dma_start3A_785] : memref<65024x4096xf32, #tpu.memory_space<hbm>> -> memref<65024x4096xf32, #tpu.memory_space<hbm>>
    tpu.enqueue_indirect_dma source(%dma_start3A_786 : memref<65024x4096xf32, #tpu.memory_space<hbm>>) target(%dma_start3A_781 : memref<8x4096xf32, #tpu.memory_space<vmem>>) offsets(%dma_start3A_783 : memref<8xi32, #tpu.memory_space<vmem>>) semaphore(%arg8 : memref<!tpu.dma_semaphore, #tpu.memory_space<semaphore_mem>>)
    %dma_wait3A_787 = arith.constant 0 : i32
    %dma_wait3A_788 = arith.constant 0 : i32
    %dma_wait3A_789 = arith.constant 0 : i32
    %dma_wait3A_790 = tpu.memref_slice %arg7[%dma_wait3A_787, %dma_wait3A_788, %dma_wait3A_789] : memref<3x8x4096xf32, #tpu.memory_space<vmem>> -> memref<1x8x4096xf32, #tpu.memory_space<vmem>>
    %dma_wait3A_791 = tpu.memref_squeeze %dma_wait3A_790 : memref<1x8x4096xf32, #tpu.memory_space<vmem>> -> memref<8x4096xf32, #tpu.memory_space<vmem>>
    %dma_wait3A_792 = arith.constant 240 : i32
    %dma_wait3A_793 = tpu.memref_slice %arg6[%dma_wait3A_792] : memref<256xi32, #tpu.memory_space<vmem>> -> memref<8xi32, #tpu.memory_space<vmem>>
    %dma_wait3A_794 = arith.constant 0 : i32
    %dma_wait3A_795 = arith.constant 0 : i32
    %dma_wait3A_796 = tpu.memref_slice %arg3[%dma_wait3A_794, %dma_wait3A_795] : memref<65024x4096xf32, #tpu.memory_space<hbm>> -> memref<65024x4096xf32, #tpu.memory_space<hbm>>
    tpu.wait_indirect_dma semaphore(%arg8 : memref<!tpu.dma_semaphore, #tpu.memory_space<semaphore_mem>>) src(%dma_wait3A_796 : memref<65024x4096xf32, #tpu.memory_space<hbm>>) dst(%dma_wait3A_791 : memref<8x4096xf32, #tpu.memory_space<vmem>>)
    %add3A_797 = arith.constant 240 : i32
    %add3A_798 = arith.addi %mul3A_2, %add3A_797 : i32
    %dma_start3A_799 = arith.constant 0 : i32
    %dma_start3A_800 = arith.constant 0 : i32
    %dma_start3A_801 = arith.constant 0 : i32
    %dma_start3A_802 = tpu.memref_slice %arg7[%dma_start3A_799, %dma_start3A_800, %dma_start3A_801] : memref<3x8x4096xf32, #tpu.memory_space<vmem>> -> memref<1x8x4096xf32, #tpu.memory_space<vmem>>
    %dma_start3A_803 = tpu.memref_squeeze %dma_start3A_802 : memref<1x8x4096xf32, #tpu.memory_space<vmem>> -> memref<8x4096xf32, #tpu.memory_space<vmem>>
    %dma_start3A_804 = tpu.memref_reshape %arg4 : memref<2048x4x4096xf32, #tpu.memory_space<hbm>> -> memref<8192x4096xf32, #tpu.memory_space<hbm>>
    %dma_start3A_805 = arith.constant 0 : i32
    %dma_start3A_806 = tpu.memref_slice %dma_start3A_804[%add3A_798, %dma_start3A_805] : memref<8192x4096xf32, #tpu.memory_space<hbm>> -> memref<8x4096xf32, #tpu.memory_space<hbm>>
    %dma_start3A_807 = tpu.memref_reshape %arg4 : memref<2048x4x4096xf32, #tpu.memory_space<hbm>> -> memref<8192x4096xf32, #tpu.memory_space<hbm>>
    %dma_start3A_808 = arith.constant 0 : i32
    %dma_start3A_809 = tpu.memref_slice %dma_start3A_807[%add3A_798, %dma_start3A_808] : memref<8192x4096xf32, #tpu.memory_space<hbm>> -> memref<8x4096xf32, #tpu.memory_space<hbm>>
    %dma_start3A_810 = arith.constant 0 : i32
    %dma_start3A_811 = arith.constant 0 : i32
    %dma_start3A_812 = tpu.memref_slice %arg7[%dma_start3A_799, %dma_start3A_810, %dma_start3A_811] : memref<3x8x4096xf32, #tpu.memory_space<vmem>> -> memref<1x8x4096xf32, #tpu.memory_space<vmem>>
    %dma_start3A_813 = tpu.memref_squeeze %dma_start3A_812 : memref<1x8x4096xf32, #tpu.memory_space<vmem>> -> memref<8x4096xf32, #tpu.memory_space<vmem>>
    tpu.enqueue_dma source(%dma_start3A_813 : memref<8x4096xf32, #tpu.memory_space<vmem>>) target(%dma_start3A_809 : memref<8x4096xf32, #tpu.memory_space<hbm>>) target_semaphore(%arg9 : memref<!tpu.dma_semaphore, #tpu.memory_space<semaphore_mem>>)
    %add3A_814 = arith.constant 232 : i32
    %add3A_815 = arith.addi %mul3A_2, %add3A_814 : i32
    %dma_wait3A_816 = arith.constant 2 : i32
    %dma_wait3A_817 = arith.constant 0 : i32
    %dma_wait3A_818 = arith.constant 0 : i32
    %dma_wait3A_819 = tpu.memref_slice %arg7[%dma_wait3A_816, %dma_wait3A_817, %dma_wait3A_818] : memref<3x8x4096xf32, #tpu.memory_space<vmem>> -> memref<1x8x4096xf32, #tpu.memory_space<vmem>>
    %dma_wait3A_820 = tpu.memref_squeeze %dma_wait3A_819 : memref<1x8x4096xf32, #tpu.memory_space<vmem>> -> memref<8x4096xf32, #tpu.memory_space<vmem>>
    %dma_wait3A_821 = tpu.memref_reshape %arg4 : memref<2048x4x4096xf32, #tpu.memory_space<hbm>> -> memref<8192x4096xf32, #tpu.memory_space<hbm>>
    %dma_wait3A_822 = arith.constant 0 : i32
    %dma_wait3A_823 = tpu.memref_slice %dma_wait3A_821[%add3A_815, %dma_wait3A_822] : memref<8192x4096xf32, #tpu.memory_space<hbm>> -> memref<8x4096xf32, #tpu.memory_space<hbm>>
    %dma_wait3A_824 = tpu.memref_reshape %arg4 : memref<2048x4x4096xf32, #tpu.memory_space<hbm>> -> memref<8192x4096xf32, #tpu.memory_space<hbm>>
    %dma_wait3A_825 = arith.constant 0 : i32
    %dma_wait3A_826 = tpu.memref_slice %dma_wait3A_824[%add3A_815, %dma_wait3A_825] : memref<8192x4096xf32, #tpu.memory_space<hbm>> -> memref<8x4096xf32, #tpu.memory_space<hbm>>
    %dma_wait3A_827 = arith.constant 0 : i32
    %dma_wait3A_828 = arith.constant 0 : i32
    %dma_wait3A_829 = tpu.memref_slice %arg7[%dma_wait3A_816, %dma_wait3A_827, %dma_wait3A_828] : memref<3x8x4096xf32, #tpu.memory_space<vmem>> -> memref<1x8x4096xf32, #tpu.memory_space<vmem>>
    %dma_wait3A_830 = tpu.memref_squeeze %dma_wait3A_829 : memref<1x8x4096xf32, #tpu.memory_space<vmem>> -> memref<8x4096xf32, #tpu.memory_space<vmem>>
    tpu.wait_dma2 semaphore(%arg9 : memref<!tpu.dma_semaphore, #tpu.memory_space<semaphore_mem>>) src(%dma_wait3A_830 : memref<8x4096xf32, #tpu.memory_space<vmem>>) dst(%dma_wait3A_826 : memref<8x4096xf32, #tpu.memory_space<hbm>>)
    %dma_wait3A_831 = arith.constant 1 : i32
    %dma_wait3A_832 = arith.constant 0 : i32
    %dma_wait3A_833 = arith.constant 0 : i32
    %dma_wait3A_834 = tpu.memref_slice %arg7[%dma_wait3A_831, %dma_wait3A_832, %dma_wait3A_833] : memref<3x8x4096xf32, #tpu.memory_space<vmem>> -> memref<1x8x4096xf32, #tpu.memory_space<vmem>>
    %dma_wait3A_835 = tpu.memref_squeeze %dma_wait3A_834 : memref<1x8x4096xf32, #tpu.memory_space<vmem>> -> memref<8x4096xf32, #tpu.memory_space<vmem>>
    %dma_wait3A_836 = arith.constant 248 : i32
    %dma_wait3A_837 = tpu.memref_slice %arg6[%dma_wait3A_836] : memref<256xi32, #tpu.memory_space<vmem>> -> memref<8xi32, #tpu.memory_space<vmem>>
    %dma_wait3A_838 = arith.constant 0 : i32
    %dma_wait3A_839 = arith.constant 0 : i32
    %dma_wait3A_840 = tpu.memref_slice %arg3[%dma_wait3A_838, %dma_wait3A_839] : memref<65024x4096xf32, #tpu.memory_space<hbm>> -> memref<65024x4096xf32, #tpu.memory_space<hbm>>
    tpu.wait_indirect_dma semaphore(%arg8 : memref<!tpu.dma_semaphore, #tpu.memory_space<semaphore_mem>>) src(%dma_wait3A_840 : memref<65024x4096xf32, #tpu.memory_space<hbm>>) dst(%dma_wait3A_835 : memref<8x4096xf32, #tpu.memory_space<vmem>>)
    %add3A_841 = arith.constant 248 : i32
    %add3A_842 = arith.addi %mul3A_2, %add3A_841 : i32
    %dma_start3A_843 = arith.constant 1 : i32
    %dma_start3A_844 = arith.constant 0 : i32
    %dma_start3A_845 = arith.constant 0 : i32
    %dma_start3A_846 = tpu.memref_slice %arg7[%dma_start3A_843, %dma_start3A_844, %dma_start3A_845] : memref<3x8x4096xf32, #tpu.memory_space<vmem>> -> memref<1x8x4096xf32, #tpu.memory_space<vmem>>
    %dma_start3A_847 = tpu.memref_squeeze %dma_start3A_846 : memref<1x8x4096xf32, #tpu.memory_space<vmem>> -> memref<8x4096xf32, #tpu.memory_space<vmem>>
    %dma_start3A_848 = tpu.memref_reshape %arg4 : memref<2048x4x4096xf32, #tpu.memory_space<hbm>> -> memref<8192x4096xf32, #tpu.memory_space<hbm>>
    %dma_start3A_849 = arith.constant 0 : i32
    %dma_start3A_850 = tpu.memref_slice %dma_start3A_848[%add3A_842, %dma_start3A_849] : memref<8192x4096xf32, #tpu.memory_space<hbm>> -> memref<8x4096xf32, #tpu.memory_space<hbm>>
    %dma_start3A_851 = tpu.memref_reshape %arg4 : memref<2048x4x4096xf32, #tpu.memory_space<hbm>> -> memref<8192x4096xf32, #tpu.memory_space<hbm>>
    %dma_start3A_852 = arith.constant 0 : i32
    %dma_start3A_853 = tpu.memref_slice %dma_start3A_851[%add3A_842, %dma_start3A_852] : memref<8192x4096xf32, #tpu.memory_space<hbm>> -> memref<8x4096xf32, #tpu.memory_space<hbm>>
    %dma_start3A_854 = arith.constant 0 : i32
    %dma_start3A_855 = arith.constant 0 : i32
    %dma_start3A_856 = tpu.memref_slice %arg7[%dma_start3A_843, %dma_start3A_854, %dma_start3A_855] : memref<3x8x4096xf32, #tpu.memory_space<vmem>> -> memref<1x8x4096xf32, #tpu.memory_space<vmem>>
    %dma_start3A_857 = tpu.memref_squeeze %dma_start3A_856 : memref<1x8x4096xf32, #tpu.memory_space<vmem>> -> memref<8x4096xf32, #tpu.memory_space<vmem>>
    tpu.enqueue_dma source(%dma_start3A_857 : memref<8x4096xf32, #tpu.memory_space<vmem>>) target(%dma_start3A_853 : memref<8x4096xf32, #tpu.memory_space<hbm>>) target_semaphore(%arg9 : memref<!tpu.dma_semaphore, #tpu.memory_space<semaphore_mem>>)
    %add3A_858 = arith.constant 240 : i32
    %add3A_859 = arith.addi %mul3A_2, %add3A_858 : i32
    %dma_wait3A_860 = arith.constant 0 : i32
    %dma_wait3A_861 = arith.constant 0 : i32
    %dma_wait3A_862 = arith.constant 0 : i32
    %dma_wait3A_863 = tpu.memref_slice %arg7[%dma_wait3A_860, %dma_wait3A_861, %dma_wait3A_862] : memref<3x8x4096xf32, #tpu.memory_space<vmem>> -> memref<1x8x4096xf32, #tpu.memory_space<vmem>>
    %dma_wait3A_864 = tpu.memref_squeeze %dma_wait3A_863 : memref<1x8x4096xf32, #tpu.memory_space<vmem>> -> memref<8x4096xf32, #tpu.memory_space<vmem>>
    %dma_wait3A_865 = tpu.memref_reshape %arg4 : memref<2048x4x4096xf32, #tpu.memory_space<hbm>> -> memref<8192x4096xf32, #tpu.memory_space<hbm>>
    %dma_wait3A_866 = arith.constant 0 : i32
    %dma_wait3A_867 = tpu.memref_slice %dma_wait3A_865[%add3A_859, %dma_wait3A_866] : memref<8192x4096xf32, #tpu.memory_space<hbm>> -> memref<8x4096xf32, #tpu.memory_space<hbm>>
    %dma_wait3A_868 = tpu.memref_reshape %arg4 : memref<2048x4x4096xf32, #tpu.memory_space<hbm>> -> memref<8192x4096xf32, #tpu.memory_space<hbm>>
    %dma_wait3A_869 = arith.constant 0 : i32
    %dma_wait3A_870 = tpu.memref_slice %dma_wait3A_868[%add3A_859, %dma_wait3A_869] : memref<8192x4096xf32, #tpu.memory_space<hbm>> -> memref<8x4096xf32, #tpu.memory_space<hbm>>
    %dma_wait3A_871 = arith.constant 0 : i32
    %dma_wait3A_872 = arith.constant 0 : i32
    %dma_wait3A_873 = tpu.memref_slice %arg7[%dma_wait3A_860, %dma_wait3A_871, %dma_wait3A_872] : memref<3x8x4096xf32, #tpu.memory_space<vmem>> -> memref<1x8x4096xf32, #tpu.memory_space<vmem>>
    %dma_wait3A_874 = tpu.memref_squeeze %dma_wait3A_873 : memref<1x8x4096xf32, #tpu.memory_space<vmem>> -> memref<8x4096xf32, #tpu.memory_space<vmem>>
    tpu.wait_dma2 semaphore(%arg9 : memref<!tpu.dma_semaphore, #tpu.memory_space<semaphore_mem>>) src(%dma_wait3A_874 : memref<8x4096xf32, #tpu.memory_space<vmem>>) dst(%dma_wait3A_870 : memref<8x4096xf32, #tpu.memory_space<hbm>>)
    %add3A_875 = arith.constant 248 : i32
    %add3A_876 = arith.addi %mul3A_2, %add3A_875 : i32
    %dma_wait3A_877 = arith.constant 1 : i32
    %dma_wait3A_878 = arith.constant 0 : i32
    %dma_wait3A_879 = arith.constant 0 : i32
    %dma_wait3A_880 = tpu.memref_slice %arg7[%dma_wait3A_877, %dma_wait3A_878, %dma_wait3A_879] : memref<3x8x4096xf32, #tpu.memory_space<vmem>> -> memref<1x8x4096xf32, #tpu.memory_space<vmem>>
    %dma_wait3A_881 = tpu.memref_squeeze %dma_wait3A_880 : memref<1x8x4096xf32, #tpu.memory_space<vmem>> -> memref<8x4096xf32, #tpu.memory_space<vmem>>
    %dma_wait3A_882 = tpu.memref_reshape %arg4 : memref<2048x4x4096xf32, #tpu.memory_space<hbm>> -> memref<8192x4096xf32, #tpu.memory_space<hbm>>
    %dma_wait3A_883 = arith.constant 0 : i32
    %dma_wait3A_884 = tpu.memref_slice %dma_wait3A_882[%add3A_876, %dma_wait3A_883] : memref<8192x4096xf32, #tpu.memory_space<hbm>> -> memref<8x4096xf32, #tpu.memory_space<hbm>>
    %dma_wait3A_885 = tpu.memref_reshape %arg4 : memref<2048x4x4096xf32, #tpu.memory_space<hbm>> -> memref<8192x4096xf32, #tpu.memory_space<hbm>>
    %dma_wait3A_886 = arith.constant 0 : i32
    %dma_wait3A_887 = tpu.memref_slice %dma_wait3A_885[%add3A_876, %dma_wait3A_886] : memref<8192x4096xf32, #tpu.memory_space<hbm>> -> memref<8x4096xf32, #tpu.memory_space<hbm>>
    %dma_wait3A_888 = arith.constant 0 : i32
    %dma_wait3A_889 = arith.constant 0 : i32
    %dma_wait3A_890 = tpu.memref_slice %arg7[%dma_wait3A_877, %dma_wait3A_888, %dma_wait3A_889] : memref<3x8x4096xf32, #tpu.memory_space<vmem>> -> memref<1x8x4096xf32, #tpu.memory_space<vmem>>
    %dma_wait3A_891 = tpu.memref_squeeze %dma_wait3A_890 : memref<1x8x4096xf32, #tpu.memory_space<vmem>> -> memref<8x4096xf32, #tpu.memory_space<vmem>>
    tpu.wait_dma2 semaphore(%arg9 : memref<!tpu.dma_semaphore, #tpu.memory_space<semaphore_mem>>) src(%dma_wait3A_891 : memref<8x4096xf32, #tpu.memory_space<vmem>>) dst(%dma_wait3A_887 : memref<8x4096xf32, #tpu.memory_space<hbm>>)
    return
  }
}

</mosaic_0001>

<sc_bundles>
// kernel: kernel.3.cloned.1.call-start
scs
__scs_entry_jumppad:
0x0: {  	(pc) =	sbr.rel $0x88, $3  }
0x1: {  	(tag) =	ssettag $0x0;
	lr =	simm.s32 $0x1  }
0x2: {  	[smem:$0x3F9F] =	sst lr;
	_ =	strace $0xD0000000  }
0x3: {  	_ = 	snop  }
0x4: {  	_ = 	snop  }
0x5: {  	_ = 	snop  }
0x6: {  	_ = 	snop  }
0x7: {  	_ = 	snop  }
__scs_overlays_trampoline_lowered:
0x8: {  	[smem:$0x3FAE] =	sst s0  }
0x9: {  	[smem:$0x3FAF] =	sst s1  }
0xa: {  	[smem:$0x3FB0] =	sst s2  }
0xb: {  	[smem:$0x3FB1] =	sst s3  }
0xc: {  	[smem:$0x3FB2] =	sst s4  }
0xd: {  	[smem:$0x3FB3] =	sst s5  }
0xe: {  	[smem:$0x3FB4] =	sst s6  }
0xf: {  	[smem:$0x3FB5] =	sst s7  }
0x10: {  	[smem:$0x3FB6] =	sst s8  }
0x11: {  	[smem:$0x3FB7] =	sst s9;
	s0 =	simm.s32 @!p0 $0x0  }
0x12: {  	s1 =	sld [smem:$0x3F9D];
	s0 =	simm.s32 @p0 $0x1  }
0x13: {  	[smem:$0x3FB8] =	sst s0;
	s0 =	simm.s32 @!p1 $0x0  }
0x14: {  	s2 =	sld [smem:$0x3F9C];
	s0 =	simm.s32 @p1 $0x1  }
0x15: {  	[smem:$0x3FB9] =	sst s0;
	s0 =	simm.s32 @!p2 $0x0  }
0x16: {  	s3 =	sld [smem:$0x3FDB];
	s0 =	simm.s32 @p2 $0x1  }
0x17: {  	s4 =	simm.s32 $0x1BF5;
	[smem:$0x3FBB] =	sst s0  }
0x18: {  	s0 =	sld [smem:$0x3F9E];
	_ =	swait.ge [sflag:s4], $0x0  }
0x19: {  	s7 =	sld [smem:$0x3F9F]  }
0x1a: {  	s8 =	sadd.s32 $0xFFFFE003, lr  }
0x1b: {  	s9 =	sadd.s32 $0xFFFFFEF7, lr;
	s5 =	simm.s32 $0xFFFFFFFF;
	p2 =	slt.u32 s8, $0xFFFFF086  }
0x1c: {  	p1 =	slt.u32 s9, $0xF7A;
	s5 =	simm.s32 @!p2 $0x0  }
0x1d: {  	s5 =	simm.s32 @p1 $0x1;
	p0 =	seq.s32 s7, s2  }
0x1e: {  	s7 =	smul.u32 @!p0 $0xF7A, s2;
	p2 =	seq.s32 @!p0 s5, $0x0  }
0x1f: {  	s9 =	smul.u32 $0xF7A, s1;
	s8 =	simm.s32 @!p0 $0x1BF5;
	p2 =	por !p2, p0  }
0x20: {  	[sflag:s8] =	ssyncset.s32 @!p0 $0xFFFFF086;
	s6 =	sadd.s32 @!p0 s3, s7;
	s7 =	simm.s32 @!p0 $0x108  }
0x21: {  	s3 =	sadd.s32 s3, s9;
	s6 =	sadd.s32 @!p0 $0x88, s6;
	s7 =	simm.s32 @p2 $0x1082  }
0x22: {  	[simem:s7], [sflag:s8] =	dma.local @!p0 [hbm:s6], $0xF7A  }
0x23: {  	s9 =	sor.u32 $0xD0000000, s2;
	s6 =	simm.s32 $0x108;
	_ =	swait.ge @!p0 [sflag:s8], $0x0  }
0x24: {  	s3 =	sadd.s32 $0x88, s3;
	s6 =	simm.s32 @!p1 $0x1082;
	[sflag:s4] =	ssyncset.s32 $0xFFFFF086  }
0x25: {  	[simem:s6], [sflag:s4] =	dma.local [hbm:s3], $0xF7A  }
0x26: {  	[smem:$0x3F9F] =	sst s1;
	(tag) =	ssettag s2;
	_ =	strace s9  }
0x27: {  	s1 =	sld [smem:$0x3FAF]  }
0x28: {  	s2 =	sld [smem:$0x3FB0]  }
0x29: {  	s4 =	sld [smem:$0x3FB2]  }
0x2a: {  	p0 =	seq.s32 s5, $0x0;
	s5 =	sld [smem:$0x3FB3]  }
0x2b: {  	s6 =	sld [smem:$0x3FB4]  }
0x2c: {  	s7 =	sld [smem:$0x3FB5]  }
0x2d: {  	s3 =	simm.s32 $0x108;
	s8 =	sld [smem:$0x3FB6]  }
0x2e: {  	s3 =	simm.s32 @!p0 $0x1082;
	s9 =	sld [smem:$0x3FB7]  }
0x2f: {  	lr =	sadd.s32 s0, s3;
	s0 =	sld [smem:$0x3FAE]  }
0x30: {  	s3 =	sld [smem:$0x3FB1]  }
0x31: {  	[smem:$0x3FBA] =	sst s10  }
0x32: {  	s10 =	sld [smem:$0x3FB8];
	_ =	sdelay $0x3  }
0x33: {  	p0 =	seq.s32 s10, $0x1;
	s10 =	sld [smem:$0x3FBA];
	_ =	sdelay $0x3  }
0x34: {  	[smem:$0x3FBA] =	sst s10  }
0x35: {  	s10 =	sld [smem:$0x3FB9];
	_ =	sdelay $0x3  }
0x36: {  	p1 =	seq.s32 s10, $0x1;
	s10 =	sld [smem:$0x3FBA];
	_ =	sdelay $0x3  }
0x37: {  	[smem:$0x3FBA] =	sst s10  }
0x38: {  	s10 =	sld [smem:$0x3FBB]  }
0x39: {  	_ = 	snop;
	(pc) =	sbr.ind lr, $3  }
0x3a: {  	_ = 	snop  }
0x3b: {  	_ = 	snop  }
0x3c: {  	p2 =	seq.s32 s10, $0x1;
	s10 =	sld [smem:$0x3FBA]  }
0x3d: {  	_ =	shalt  }
0x3e: {  	_ =	shalt  }
0x3f: {  	_ =	shalt  }
0x40: {  	_ =	shalt  }
0x41: {  	_ =	shalt  }
0x42: {  	_ =	shalt  }
0x43: {  	_ =	shalt  }
0x44: {  	_ =	shalt  }
0x45: {  	_ =	shalt  }
0x46: {  	_ =	shalt  }
0x47: {  	_ =	shalt  }
0x48: {  	_ =	shalt  }
0x49: {  	_ =	shalt  }
0x4a: {  	_ =	shalt  }
0x4b: {  	_ =	shalt  }
0x4c: {  	_ =	shalt  }
0x4d: {  	_ =	shalt  }
0x4e: {  	_ =	shalt  }
0x4f: {  	_ =	shalt  }
0x50: {  	_ =	shalt  }
0x51: {  	_ =	shalt  }
0x52: {  	_ =	shalt  }
0x53: {  	_ =	shalt  }
0x54: {  	_ =	shalt  }
0x55: {  	_ =	shalt  }
0x56: {  	_ =	shalt  }
0x57: {  	_ =	shalt  }
0x58: {  	_ =	shalt  }
0x59: {  	_ =	shalt  }
0x5a: {  	_ =	shalt  }
0x5b: {  	_ =	shalt  }
0x5c: {  	_ =	shalt  }
0x5d: {  	_ =	shalt  }
0x5e: {  	_ =	shalt  }
0x5f: {  	_ =	shalt  }
0x60: {  	_ =	shalt  }
0x61: {  	_ =	shalt  }
0x62: {  	_ =	shalt  }
0x63: {  	_ =	shalt  }
0x64: {  	_ =	shalt  }
0x65: {  	_ =	shalt  }
0x66: {  	_ =	shalt  }
0x67: {  	_ =	shalt  }
0x68: {  	_ =	shalt  }
0x69: {  	_ =	shalt  }
0x6a: {  	_ =	shalt  }
0x6b: {  	_ =	shalt  }
0x6c: {  	_ =	shalt  }
0x6d: {  	_ =	shalt  }
0x6e: {  	_ =	shalt  }
0x6f: {  	_ =	shalt  }
0x70: {  	_ =	shalt  }
0x71: {  	_ =	shalt  }
0x72: {  	_ =	shalt  }
0x73: {  	_ =	shalt  }
0x74: {  	_ =	shalt  }
0x75: {  	_ =	shalt  }
0x76: {  	_ =	shalt  }
0x77: {  	_ =	shalt  }
0x78: {  	_ =	shalt  }
0x79: {  	_ =	shalt  }
0x7a: {  	_ =	shalt  }
0x7b: {  	_ =	shalt  }
0x7c: {  	_ =	shalt  }
0x7d: {  	_ =	shalt  }
0x7e: {  	_ =	shalt  }
0x7f: {  	_ =	shalt  }
0x80: {  	_ =	shalt  }
0x81: {  	_ =	shalt  }
0x82: {  	_ =	shalt  }
0x83: {  	_ =	shalt  }
0x84: {  	_ =	shalt  }
0x85: {  	_ =	shalt  }
0x86: {  	_ =	shalt  }
0x87: {  	_ =	shalt  }
.Lfunc_end0:
.L_simem_size_0:
called_computation_lowered:
.L_overlay_start_0:
0x88: {  	s2 =	sld [smem:$0x3FD9]  }
0x89: {  	s3 =	sld [smem:$0x3FFE];
	_ =	sdelay $0x1  }
0x8a: {  	s1 =	srdreg.scid  }
0x8b: {  	s0 =	sand.u32 $0x1, s1  }
0x8c: {  	s18 =	sshll.u32 s0, $0xA;
	s2 =	sadd.s32 s3, s2  }
0x8d: {  	s2 =	sadd.s32 s2, s18  }
0x8e: {  	[smem:$0x3FC6] =	sst s2  }
0x8f: {  	_ = 	snop  }
0x90: {  	s2 =	sld [smem:$0x3FC9]  }
0x91: {  	s19 =	sld [smem:$0x3FC8]  }
0x92: {  	s4 =	sld [smem:$0x3FD0];
	(tm) =	ssettm $0x1  }
0x93: {  	s5 =	sld [smem:$0x3FFB];
	_ =	sdelay $0x3  }
0x94: {  	_ =	strace s5  }
0x95: {  	s5 =	sld [smem:$0x3FFC];
	_ =	sdelay $0x3  }
0x96: {  	_ =	strace s5  }
0x97: {  	s5 =	sld [smem:$0x3FFD];
	_ =	sdelay $0x3  }
0x98: {  	_ =	strace s5  }
0x99: {  	_ =	strace $0x8FFFFFFF  }
0x9a: {  	s20 =	sld [smem:$0x3FDB];
	_ =	sdelay $0x1  }
0x9b: {  	s6 =	simm.s32 $_scs_section_size  }
0x9c: {  	s7 =	simm.s32 $_size__tile_overlayer_lowered;
	s8 =	simm.s32 $_tile_overlayer_lowered  }
0x9d: {  	s23 =	simm.s32 $0x1BFF;
	s22 =	sshll.u32 s8, $0x1;
	s5 =	sadd.s32 s6, s20  }
0x9e: {  	s9 =	simm.s32 $0x0;
	s21 =	sshll.u32 s7, $0x1;
	s7 =	sadd.s32 s22, s5  }
0x9f: {  	[timem:s9], [sflag:s23] =	dma.local [hbm:s7], s21  }
0xa0: {  	_ =	swait.ge [sflag:s23], s21  }
0xa1: {  	s6 =	ssub.s32 $0x0, s21;
	[sflag:s23] =	ssyncset.done $0x0  }
0xa2: {  	[sflag:s23] =	ssyncadd.s32 s6;
	_ =	sdelay $0x1  }
0xa3: {  	s24 =	simm.s32 $0x1B8B  }
0xa4: {  	_ =	swait.ge [sflag:s24], $0x1  }
0xa5: {  	[sflag:s24] =	ssyncset.done $0x0  }
0xa6: {  	s25 =	simm.s32 $0x1B8E;
	[sflag:s24] =	ssyncadd.s32 $0xFFFFFFFF  }
0xa7: {  	s26 =	simm.s32 $execute0_lowered;
	[smem:$0x3FD2] =	sst s25  }
0xa8: {  	s6 =	sshll.u32 s26, $0x1;
	_ =	strace $0x80000046;
	[dreg:$0x1] =	wrdreg $0xFFFFFFFF  }
0xa9: {  	s28 =	simm.s32 $_size_execute0_lowered;
	s5 =	sadd.s32 s5, s6;
	[dreg:$0x0] =	wrdreg $0x0  }
0xaa: {  	s6 =	sshll.u32 s28, $0x1;
	[dreg:$0x2] =	wrdreg s5  }
0xab: {  	[dreg:$0x3] =	wrdreg s6  }
0xac: {  	[dreg:$0x4] =	wrdreg $0xC0  }
0xad: {  	_ =	task [dreg:s9], $0x5FFFF  }
0xae: {  	[dreg:$0x1] =	wrdreg $0xFFFFFFFF  }
0xaf: {  	[dreg:$0x0] =	wrdreg $0x60  }
0xb0: {  	[dreg:$0x2] =	wrdreg s2  }
0xb1: {  	[dreg:$0x3] =	wrdreg s19  }
0xb2: {  	[dreg:$0x4] =	wrdreg s4  }
0xb3: {  	[dreg:$0x5] =	wrdreg $0x9  }
0xb4: {  	_ =	task.clear_ibuf [dreg:s9], $0x6FFFF;
	_ =	strace $0x90000046  }
0xb5: {  	s29 =	simm.s32 $0x9;
	_ =	strace $0x80000048  }
0xb6: {  	_ =	swait.ge [sflag:s29], $0x1  }
0xb7: {  	[sflag:s29] =	ssyncadd.s32 $0xFFFFFFFF  }
0xb8: {  	_ =	strace $0x90000048  }
0xb9: {  	_ =	sfence  }
0xba: {  	s30 =	sld [smem:$0x0];
	_ =	sdelay $0x2  }
0xbb: {  	s31 =	sshll.u32 s1, $0xD;
	s1 =	sshrl.u32 s1, $0x2  }
0xbc: {  	s3 =	sand.u32 $0x4000, s31;
	s1 =	sadd.s32 s1, s30  }
0xbd: {  	s0 =	sor.u32 s3, s0;
	s1 =	sshll.u32 s1, $0x11  }
0xbe: {  	s0 =	sor.u32 s1, s0  }
0xbf: {  	s0 =	sadd.s32 $0x8F2B, s0  }
0xc0: {  	[sflag:s0] =	ssyncadd.remote.s32 $0x1  }
0xc1: {  	_ =	sfence.sel $0xFFFF  }
0xc2: {  	[dreg:$0x0] =	wrdreg $0xFFFFFFFF;
	(pc) =	sbr.abs _section_cstart, $3  }
0xc3: {  	[dreg:$0x1] =	wrdreg $0xFFFFFFFF  }
0xc4: {  	_ =	task.clear_ibuf [dreg:s9], $0x2FFFF;
	_ =	strace $0x9FFFFFFF  }
0xc5: {  	(tm) =	ssettm $0x7FFFFFFF  }
tec
execute0_lowered:
.L_overlay_start_1:
0x0: {  	(tag) =	ssettag $0x1  }
0x1: {  	s0 =	rddreg [dreg:$0x0]  }
0x2: {  	s1 =	srdreg.scid;
	s7 =	rddreg [dreg:$0x1]  }
0x3: {  	s2 =	stileid.u32;
	s8 =	rddreg [dreg:$0x2]  }
0x4: {  	s4 =	simm.s32 $0x0;
	s1 =	sand.u32 $0x1, s1;
	s2 =	sshll.u32 s2, $0x1  }
0x5: {  	[smem:$0x7FF] =	sst s4;
	s24 =	sadd.s32 $0x100, s7;
	s11 =	sadd.s32 $0x200, s7  }
0x6: {  	s12 =	sadd.s32 $0x300, s7;
	s13 =	sadd.s32 $0x400, s7;
	s14 =	sadd.s32 $0x500, s7  }
0x7: {  	s15 =	sadd.s32 $0x600, s7;
	s16 =	sadd.s32 $0x700, s7;
	s17 =	sadd.s32 $0x800, s7  }
0x8: {  	s18 =	sadd.s32 $0x900, s7;
	s19 =	sadd.s32 $0xA00, s7;
	s20 =	sadd.s32 $0xB00, s7  }
0x9: {  	s21 =	sadd.s32 $0xC00, s7;
	s22 =	sadd.s32 $0xD00, s7;
	s2 =	sor.u32 s1, s2  }
0xa: {  	s3 =	sshll.u32 s1, $0x6;
	_ =	strace $0x80000047;
	s1 =	ssub.s32 $0x2, s1  }
0xb: {  	[dreg:$0x9] =	wrdreg s24;
	s9 =	sshll.u32 s2, $0x8;
	s6 =	sshrl.u32 s1, $0x1  }
0xc: {  	s25 =	sshll.u32 s2, $0x11;
	s5 =	sand.u32 $0x1E00, s9;
	s1 =	ssub.s32 s1, s6  }
0xd: {  	s24 =	sadd.s32 s8, s25;
	s28 =	sor.u32 $0x8, s9;
	[dreg:$0x4] =	wrdreg s9  }
0xe: {  	vm0 =	vcmask $0x1310;
	vm1 =	vcmask $0x300;
	v4 =	vlaneseq.u32;
	s29 =	sor.u32 $0x10, s9;
	s25 =	simm.s32 $0x1;
	s8 =	simm.s32 $0x200  }
0xf: {  	vm2 =	vcmask $0x1710;
	vm3 =	vcmask $0x700;
	vm4 =	vcmask $0xB00;
	s5 =	sor.u32 s3, s5;
	s3 =	sor.u32 s3, s9;
	[dreg:$0xb] =	wrdreg s28  }
0x10: {  	vm0 =	vmor vm1, vm0;
	vm1 =	vcmask $0x2320;
	v0 =	vshrl.u32 v4, $0x2;
	s26 =	smax.u32 s1, $0x1;
	[dreg:$0xc] =	wrdreg s29;
	s30 =	sadd.s32 $0x1C000, s24  }
0x11: {  	v5 =	vshrl.u32 v4, $0x3;
	v4 =	vand.u32 $0x7, v4;
	vm0 =	vmor vm0, vm1;
	s31 =	sadd.s32 $0x1D000, s24;
	s1 =	sadd.s32 $0x1E000, s24;
	s9 =	simm.s32 $0x4000  }
0x12: {  	vm1 =	vcmask $0x3330;
	v1 =	vor.u32 $0x4, v0;
	v2 =	vor.u32 $0x8, v0;
	s5 =	sshrl.u32 s5, $0x3;
	s3 =	sshrl.u32 s3, $0x3;
	[dreg:$0xa] =	wrdreg s26  }
0x13: {  	v3 =	vor.u32 $0xC, v0;
	v5 =	vmul.u32 $0x8, v5;
	vm0 =	vmor vm0, vm1;
	s26 =	sadd.s32 $0xF00, s7;
	s5 =	sadd.s32 s0, s5;
	s23 =	sor.u32 $0x20, s3  }
0x14: {  	vm1 =	vmor vm3, vm2;
	vm2 =	vcmask $0x2720;
	vm3 =	vcmask $0x1B10;
	s3 =	sor.u32 $0x30, s3;
	[dreg:$0x5] =	wrdreg s5;
	s5 =	sadd.s32 $0x10, s5  }
0x15: {  	vm1 =	vmor vm1, vm2;
	vm2 =	vmor vm4, vm3;
	vm3 =	vcmask $0x2B20;
	[dreg:$0x6] =	wrdreg s5;
	s5 =	sadd.s32 s0, s23;
	s0 =	sadd.s32 s0, s3  }
0x16: {  	vm4 =	vcmask $0x3730;
	vm2 =	vmor vm2, vm3;
	vm3 =	vcmask $0x3B30;
	s23 =	sadd.s32 $0xE00, s7;
	s7 =	simm.s32 $0x2;
	[dreg:$0x7] =	wrdreg s5  }
0x17: {  	vm1 =	vmor vm1, vm4;
	vm2 =	vmor vm2, vm3;
	vm3 =	vmmov $0xffff;
	s3 =	simm.s32 $0x0;
	[dreg:$0x8] =	wrdreg s0;
	s0 =	sadd.s32 $0x1F000, s24  }
.LBB2_1:
0x18: {  	[dreg:$0xd] =	wrdreg s3  }
0x19: {  	s2 =	rddreg [dreg:$0x5]  }
0x1a: {  	[tilespmem:s4], [sflag:$0x2] =	stream.linear.gather [hbm4b:s2+s4], $0x40, $0x38;
	[tilespmem:$0x18200] =	vst v63  }
0x1b: {  	s28 =	rddreg [dreg:$0x6];
	s29 =	simm.s32 $0x40  }
0x1c: {  	[tilespmem:s29], [sflag:$0x2] =	stream.linear.gather [hbm4b:s28+s4], $0x40, $0x38;
	[tilespmem:$0x18200] =	vst v63  }
0x1d: {  	s3 =	rddreg [dreg:$0x7];
	s5 =	simm.s32 $0x80  }
0x1e: {  	[tilespmem:s5], [sflag:$0x2] =	stream.linear.gather [hbm4b:s3+s4], $0x40, $0x38;
	[tilespmem:$0x18200] =	vst v63  }
0x1f: {  	s6 =	rddreg [dreg:$0x8];
	s10 =	simm.s32 $0xC0  }
0x20: {  	[tilespmem:s10], [sflag:$0x2] =	stream.linear.gather [hbm4b:s6+s4], $0x40, $0x38;
	[tilespmem:$0x18200] =	vst v63  }
0x21: {  	_ =	swait.ge [sflag:s7], $0x40  }
0x22: {  	[sflag:s7] =	ssyncset.done $0x0  }
0x23: {  	[sflag:s7] =	ssyncadd.s32 $0xFFFFFFC0  }
0x24: {  	_ =	swait.ge [sflag:s7], $0x40  }
0x25: {  	[sflag:s7] =	ssyncset.done $0x0  }
0x26: {  	[sflag:s7] =	ssyncadd.s32 $0xFFFFFFC0  }
0x27: {  	_ =	swait.ge [sflag:s7], $0x40  }
0x28: {  	[sflag:s7] =	ssyncset.done $0x0  }
0x29: {  	[sflag:s7] =	ssyncadd.s32 $0xFFFFFFC0  }
0x2a: {  	_ =	swait.ge [sflag:s7], $0x40  }
0x2b: {  	[sflag:s7] =	ssyncset.done $0x0  }
0x2c: {  	[sflag:s7] =	ssyncadd.s32 $0xFFFFFFC0  }
0x2d: {  	v6 =	vld [tilespmem:$0x0]  }
0x2e: {  	v7 =	vld [tilespmem:$0x40]  }
0x2f: {  	v8 =	vld [tilespmem:$0x80]  }
0x30: {  	v9 =	vld [tilespmem:$0xC0];
	_ =	sdelay $0x2  }
0x31: {  	v10 =	vperm.xlane v6, v0;
	v11 =	vperm.xlane v7, v0  }
0x32: {  	v12 =	vperm.xlane v8, v0  }
0x33: {  	v13 =	vperm.xlane v9, v0;
	v10 =	vsel vm0, v10, v11  }
0x34: {  	v10 =	vsel vm1, v10, v12  }
0x35: {  	v10 =	vsel vm2, v10, v13  }
0x36: {  	[tilespmem:$0x100] =	vst v10  }
0x37: {  	v10 =	vld.msk [tilespmem:$0x100], $0xff;
	_ =	sdelay $0x2  }
0x38: {  	v48 =	vperm.xlane v6, v1;
	v49 =	vperm.xlane v7, v1  }
0x39: {  	v50 =	vperm.xlane v8, v1;
	v14 =	vperm.xlane v9, v1  }
0x3a: {  	v15 =	vperm.xlane v6, v2;
	v16 =	vperm.xlane v7, v2;
	v51 =	vshll.u32 v10, $0x5  }
0x3b: {  	v17 =	vperm.xlane v8, v2;
	v10 =	vand.u32 $0x7, v10;
	v12 =	vand.u32 $0xFFFFFF00, v51  }
0x3c: {  	v52 =	vperm.xlane v9, v2;
	v6 =	vperm.xlane v6, v3;
	v10 =	vor.u32 v10, v12  }
0x3d: {  	v7 =	vperm.xlane v7, v3;
	v10 =	vperm.xlane v10, v4  }
0x3e: {  	v8 =	vperm.xlane v8, v3;
	v9 =	vperm.xlane v9, v3;
	v11 =	vsel vm0, v48, v49  }
0x3f: {  	v6 =	vsel vm0, v6, v7;
	v11 =	vsel vm1, v11, v50;
	v10 =	vadd.s32 v5, v10  }
0x40: {  	v53 =	vsel vm0, v15, v16;
	v6 =	vsel vm1, v6, v8;
	v11 =	vsel vm2, v11, v14  }
0x41: {  	v13 =	vsel vm1, v53, v17;
	v6 =	vsel vm2, v6, v9;
	[tilespmem:$0x110] =	vst v11  }
0x42: {  	v7 =	vsel vm2, v13, v52;
	[tilespmem:$0x130] =	vst v6  }
0x43: {  	s2 =	rddreg [dreg:$0x1];
	[tilespmem:$0x120] =	vst v7  }
0x44: {  	[tilespmem:s8], [sflag:$0x1] =	stream.indirect_vreg.gather [hbm4b:s2+s4], $0x80, v10, vm3, $0xb8;
	[tilespmem:$0x18200] =	vst v63  }
0x45: {  	s5 =	simm.s32 $0xA00;
	s3 =	rddreg [dreg:$0x9]  }
0x46: {  	[tilespmem:s5], [sflag:$0x1] =	stream.indirect_vreg.gather [hbm4b:s3+s4], $0x80, v10, vm3, $0xb8;
	[tilespmem:$0x18200] =	vst v63  }
0x47: {  	s28 =	simm.s32 $0x1200  }
0x48: {  	[tilespmem:s28], [sflag:$0x1] =	stream.indirect_vreg.gather [hbm4b:s11+s4], $0x80, v10, vm3, $0xb8;
	[tilespmem:$0x18200] =	vst v63  }
0x49: {  	s29 =	simm.s32 $0x1A00  }
0x4a: {  	[tilespmem:s29], [sflag:$0x1] =	stream.indirect_vreg.gather [hbm4b:s12+s4], $0x80, v10, vm3, $0xb8;
	[tilespmem:$0x18200] =	vst v63  }
0x4b: {  	s6 =	simm.s32 $0x2200  }
0x4c: {  	[tilespmem:s6], [sflag:$0x1] =	stream.indirect_vreg.gather [hbm4b:s13+s4], $0x80, v10, vm3, $0xb8;
	[tilespmem:$0x18200] =	vst v63  }
0x4d: {  	s10 =	simm.s32 $0x2A00  }
0x4e: {  	[tilespmem:s10], [sflag:$0x1] =	stream.indirect_vreg.gather [hbm4b:s14+s4], $0x80, v10, vm3, $0xb8;
	[tilespmem:$0x18200] =	vst v63  }
0x4f: {  	s28 =	simm.s32 $0x3200  }
0x50: {  	[tilespmem:s28], [sflag:$0x1] =	stream.indirect_vreg.gather [hbm4b:s15+s4], $0x80, v10, vm3, $0xb8;
	[tilespmem:$0x18200] =	vst v63  }
0x51: {  	s29 =	simm.s32 $0x3A00  }
0x52: {  	[tilespmem:s29], [sflag:$0x1] =	stream.indirect_vreg.gather [hbm4b:s16+s4], $0x80, v10, vm3, $0xb8;
	[tilespmem:$0x18200] =	vst v63  }
0x53: {  	s6 =	simm.s32 $0x4200  }
0x54: {  	[tilespmem:s6], [sflag:$0x1] =	stream.indirect_vreg.gather [hbm4b:s17+s4], $0x80, v10, vm3, $0xb8;
	[tilespmem:$0x18200] =	vst v63  }
0x55: {  	s10 =	simm.s32 $0x4A00  }
0x56: {  	[tilespmem:s10], [sflag:$0x1] =	stream.indirect_vreg.gather [hbm4b:s18+s4], $0x80, v10, vm3, $0xb8;
	[tilespmem:$0x18200] =	vst v63  }
0x57: {  	s28 =	simm.s32 $0x5200  }
0x58: {  	[tilespmem:s28], [sflag:$0x1] =	stream.indirect_vreg.gather [hbm4b:s19+s4], $0x80, v10, vm3, $0xb8;
	[tilespmem:$0x18200] =	vst v63  }
0x59: {  	s29 =	simm.s32 $0x5A00  }
0x5a: {  	[tilespmem:s29], [sflag:$0x1] =	stream.indirect_vreg.gather [hbm4b:s20+s4], $0x80, v10, vm3, $0xb8;
	[tilespmem:$0x18200] =	vst v63  }
0x5b: {  	s6 =	simm.s32 $0x6200  }
0x5c: {  	[tilespmem:s6], [sflag:$0x1] =	stream.indirect_vreg.gather [hbm4b:s21+s4], $0x80, v10, vm3, $0xb8;
	[tilespmem:$0x18200] =	vst v63  }
0x5d: {  	s10 =	simm.s32 $0x6A00  }
0x5e: {  	[tilespmem:s10], [sflag:$0x1] =	stream.indirect_vreg.gather [hbm4b:s22+s4], $0x80, v10, vm3, $0xb8;
	[tilespmem:$0x18200] =	vst v63  }
0x5f: {  	s28 =	simm.s32 $0x7200  }
0x60: {  	[tilespmem:s28], [sflag:$0x1] =	stream.indirect_vreg.gather [hbm4b:s23+s4], $0x80, v10, vm3, $0xb8;
	[tilespmem:$0x18200] =	vst v63  }
0x61: {  	s29 =	simm.s32 $0x7A00  }
0x62: {  	[tilespmem:s29], [sflag:$0x1] =	stream.indirect_vreg.gather [hbm4b:s26+s4], $0x80, v10, vm3, $0xb8;
	[tilespmem:$0x18200] =	vst v63  }
0x63: {  	v6 =	vld.msk [tilespmem:$0x108], $0xff;
	_ =	sdelay $0x4  }
0x64: {  	v7 =	vshll.u32 v6, $0x5  }
0x65: {  	v6 =	vand.u32 $0x7, v6;
	v7 =	vand.u32 $0xFFFFFF00, v7  }
0x66: {  	v6 =	vor.u32 v6, v7  }
0x67: {  	v6 =	vperm.xlane v6, v4;
	_ =	sdelay $0x1  }
0x68: {  	v6 =	vadd.s32 v5, v6;
	_ =	sdelay $0x3  }
0x69: {  	s6 =	simm.s32 $0x8200  }
0x6a: {  	[tilespmem:s6], [sflag:$0x1] =	stream.indirect_vreg.gather [hbm4b:s2+s4], $0x80, v6, vm3, $0xb8;
	[tilespmem:$0x18200] =	vst v63  }
0x6b: {  	s10 =	simm.s32 $0x8A00  }
0x6c: {  	[tilespmem:s10], [sflag:$0x1] =	stream.indirect_vreg.gather [hbm4b:s3+s4], $0x80, v6, vm3, $0xb8;
	[tilespmem:$0x18200] =	vst v63  }
0x6d: {  	s28 =	simm.s32 $0x9200  }
0x6e: {  	[tilespmem:s28], [sflag:$0x1] =	stream.indirect_vreg.gather [hbm4b:s11+s4], $0x80, v6, vm3, $0xb8;
	[tilespmem:$0x18200] =	vst v63  }
0x6f: {  	s29 =	simm.s32 $0x9A00  }
0x70: {  	[tilespmem:s29], [sflag:$0x1] =	stream.indirect_vreg.gather [hbm4b:s12+s4], $0x80, v6, vm3, $0xb8;
	[tilespmem:$0x18200] =	vst v63  }
0x71: {  	s3 =	simm.s32 $0xA200  }
0x72: {  	[tilespmem:s3], [sflag:$0x1] =	stream.indirect_vreg.gather [hbm4b:s13+s4], $0x80, v6, vm3, $0xb8;
	[tilespmem:$0x18200] =	vst v63  }
0x73: {  	s5 =	simm.s32 $0xAA00  }
0x74: {  	[tilespmem:s5], [sflag:$0x1] =	stream.indirect_vreg.gather [hbm4b:s14+s4], $0x80, v6, vm3, $0xb8;
	[tilespmem:$0x18200] =	vst v63  }
0x75: {  	s6 =	simm.s32 $0xB200  }
0x76: {  	[tilespmem:s6], [sflag:$0x1] =	stream.indirect_vreg.gather [hbm4b:s15+s4], $0x80, v6, vm3, $0xb8;
	[tilespmem:$0x18200] =	vst v63  }
0x77: {  	s10 =	simm.s32 $0xBA00  }
0x78: {  	[tilespmem:s10], [sflag:$0x1] =	stream.indirect_vreg.gather [hbm4b:s16+s4], $0x80, v6, vm3, $0xb8;
	[tilespmem:$0x18200] =	vst v63  }
0x79: {  	s28 =	simm.s32 $0xC200  }
0x7a: {  	[tilespmem:s28], [sflag:$0x1] =	stream.indirect_vreg.gather [hbm4b:s17+s4], $0x80, v6, vm3, $0xb8;
	[tilespmem:$0x18200] =	vst v63  }
0x7b: {  	s29 =	simm.s32 $0xCA00  }
0x7c: {  	[tilespmem:s29], [sflag:$0x1] =	stream.indirect_vreg.gather [hbm4b:s18+s4], $0x80, v6, vm3, $0xb8;
	[tilespmem:$0x18200] =	vst v63  }
0x7d: {  	s3 =	simm.s32 $0xD200  }
0x7e: {  	[tilespmem:s3], [sflag:$0x1] =	stream.indirect_vreg.gather [hbm4b:s19+s4], $0x80, v6, vm3, $0xb8;
	[tilespmem:$0x18200] =	vst v63  }
0x7f: {  	s5 =	simm.s32 $0xDA00  }
0x80: {  	[tilespmem:s5], [sflag:$0x1] =	stream.indirect_vreg.gather [hbm4b:s20+s4], $0x80, v6, vm3, $0xb8;
	[tilespmem:$0x18200] =	vst v63  }
0x81: {  	s6 =	simm.s32 $0xE200  }
0x82: {  	[tilespmem:s6], [sflag:$0x1] =	stream.indirect_vreg.gather [hbm4b:s21+s4], $0x80, v6, vm3, $0xb8;
	[tilespmem:$0x18200] =	vst v63  }
0x83: {  	s10 =	simm.s32 $0xEA00  }
0x84: {  	[tilespmem:s10], [sflag:$0x1] =	stream.indirect_vreg.gather [hbm4b:s22+s4], $0x80, v6, vm3, $0xb8;
	[tilespmem:$0x18200] =	vst v63  }
0x85: {  	s28 =	simm.s32 $0xF200  }
0x86: {  	[tilespmem:s28], [sflag:$0x1] =	stream.indirect_vreg.gather [hbm4b:s23+s4], $0x80, v6, vm3, $0xb8;
	[tilespmem:$0x18200] =	vst v63  }
0x87: {  	s29 =	simm.s32 $0xFA00  }
0x88: {  	[tilespmem:s29], [sflag:$0x1] =	stream.indirect_vreg.gather [hbm4b:s26+s4], $0x80, v6, vm3, $0xb8;
	[tilespmem:$0x18200] =	vst v63  }
0x89: {  	v6 =	vld [tilespmem:$0x10]  }
0x8a: {  	v7 =	vld [tilespmem:$0x50]  }
0x8b: {  	v54 =	vld [tilespmem:$0x90]  }
0x8c: {  	v55 =	vld [tilespmem:$0xD0];
	_ =	sdelay $0x2  }
0x8d: {  	v56 =	vperm.xlane v6, v0  }
0x8e: {  	v57 =	vperm.xlane v7, v0;
	v58 =	vperm.xlane v54, v0  }
0x8f: {  	v63 =	vld [tilespmem:$0x20];
	v59 =	vperm.xlane v55, v0;
	v60 =	vperm.xlane v6, v1  }
0x90: {  	v25 =	vld [tilespmem:$0x60];
	v61 =	vperm.xlane v7, v1;
	v62 =	vperm.xlane v54, v1  }
0x91: {  	v19 =	vld [tilespmem:$0xA0];
	v23 =	vperm.xlane v6, v2;
	v24 =	vperm.xlane v7, v2  }
0x92: {  	v28 =	vld [tilespmem:$0xE0];
	v18 =	vperm.xlane v55, v1;
	v26 =	vperm.xlane v54, v2  }
0x93: {  	v27 =	vperm.xlane v55, v2;
	v6 =	vperm.xlane v6, v3  }
0x94: {  	v7 =	vperm.xlane v7, v3;
	v8 =	vperm.xlane v54, v3  }
0x95: {  	v9 =	vperm.xlane v55, v3;
	v29 =	vperm.xlane v25, v0  }
0x96: {  	v20 =	vld [tilespmem:$0x30];
	v30 =	vperm.xlane v19, v0;
	v31 =	vperm.xlane v63, v1  }
0x97: {  	v36 =	vld [tilespmem:$0x70];
	v32 =	vperm.xlane v25, v1;
	v33 =	vperm.xlane v28, v0  }
0x98: {  	v22 =	vld [tilespmem:$0xB0];
	v34 =	vperm.xlane v19, v1;
	v35 =	vperm.xlane v28, v1  }
0x99: {  	v39 =	vld [tilespmem:$0xF0];
	v37 =	vperm.xlane v63, v2;
	v21 =	vperm.xlane v25, v2  }
0x9a: {  	v38 =	vperm.xlane v19, v2;
	v15 =	vperm.xlane v63, v3  }
0x9b: {  	v17 =	vperm.xlane v25, v3;
	v40 =	vperm.xlane v28, v2  }
0x9c: {  	v41 =	vperm.xlane v19, v3;
	v42 =	vperm.xlane v20, v0  }
0x9d: {  	v43 =	vperm.xlane v36, v0;
	v45 =	vperm.xlane v22, v0  }
0x9e: {  	v46 =	vperm.xlane v28, v3;
	v48 =	vperm.xlane v39, v0  }
0x9f: {  	v50 =	vperm.xlane v20, v1;
	v51 =	vperm.xlane v36, v1  }
0xa0: {  	v53 =	vperm.xlane v22, v1;
	v55 =	vperm.xlane v20, v2  }
0xa1: {  	v10 =	vsel vm0, v56, v57;
	v11 =	vsel vm0, v60, v61;
	v13 =	vsel vm0, v23, v24  }
0xa2: {  	v6 =	vsel vm0, v6, v7;
	v7 =	vperm.xlane v63, v0;
	v15 =	vsel vm0, v15, v17  }
0xa3: {  	v47 =	vsel vm0, v42, v43;
	v54 =	vsel vm0, v50, v51;
	v57 =	vperm.xlane v36, v2  }
0xa4: {  	v60 =	vperm.xlane v36, v3;
	v61 =	vperm.xlane v39, v2;
	v10 =	vsel vm1, v10, v58  }
0xa5: {  	v63 =	vperm.xlane v39, v3;
	v11 =	vsel vm1, v11, v62;
	v10 =	vsel vm2, v10, v59  }
0xa6: {  	v12 =	vsel vm1, v13, v26;
	v6 =	vsel vm1, v6, v8;
	v11 =	vsel vm2, v11, v18;
	[tilespmem:$0x140] =	vst v10  }
0xa7: {  	v44 =	vsel vm1, v15, v41;
	v49 =	vsel vm1, v47, v45;
	v12 =	vsel vm2, v12, v27;
	[tilespmem:$0x150] =	vst v11  }
0xa8: {  	v56 =	vsel vm1, v54, v53;
	v58 =	vperm.xlane v22, v2;
	v6 =	vsel vm2, v6, v9;
	[tilespmem:$0x160] =	vst v12  }
0xa9: {  	v7 =	vsel vm0, v7, v29;
	v9 =	vsel vm0, v31, v32;
	v52 =	vsel vm2, v49, v48;
	[tilespmem:$0x170] =	vst v6  }
0xaa: {  	v59 =	vperm.xlane v20, v3;
	v7 =	vsel vm1, v7, v30;
	v6 =	vsel vm2, v44, v46;
	[tilespmem:$0x1C0] =	vst v52  }
0xab: {  	v8 =	vsel vm1, v9, v34;
	v9 =	vsel vm0, v37, v21;
	v7 =	vsel vm2, v7, v33;
	[tilespmem:$0x1B0] =	vst v6  }
0xac: {  	v8 =	vsel vm2, v8, v35;
	v9 =	vsel vm1, v9, v38;
	[tilespmem:$0x180] =	vst v7;
	v7 =	vperm.xlane v39, v1  }
0xad: {  	v62 =	vperm.xlane v22, v3;
	v6 =	vsel vm0, v55, v57;
	v9 =	vsel vm2, v9, v40;
	[tilespmem:$0x190] =	vst v8  }
0xae: {  	v6 =	vsel vm1, v6, v58;
	v8 =	vsel vm0, v59, v60;
	[tilespmem:$0x1A0] =	vst v9;
	v7 =	vsel vm2, v56, v7  }
0xaf: {  	v6 =	vsel vm2, v6, v61;
	[tilespmem:$0x1D0] =	vst v7;
	v7 =	vsel vm1, v8, v62  }
0xb0: {  	[tilespmem:$0x1E0] =	vst v6;
	v6 =	vsel vm2, v7, v63  }
0xb1: {  	[tilespmem:$0x1F0] =	vst v6  }
0xb2: {  	_ =	swait.ge [sflag:s25], $0x8000  }
0xb3: {  	s2 =	simm.s32 $0x200;
	s3 =	simm.s32 $0x600;
	[sflag:s25] =	ssyncset.done $0x0  }
0xb4: {  	s5 =	simm.s32 $0x40;
	s6 =	sadd.s32 $0x0, s24;
	[sflag:s25] =	ssyncadd.s32 $0xFFFF8000  }
.LBB2_2:
0xb5: {  	[hbm4b:s6+s8] =	stream.strided.scatter [tilespmem:s2], [sflag:$0x2], $0x400, s9, s8, $0x38;
	[tilespmem:$0x18200] =	vst v63  }
0xb6: {  	s6 =	smov.u32 s5;
	s2 =	smov.u32 s3;
	p0 =	sne.s32 s5, $0x7C0  }
.Ltmp0:
0xb7: {  	s5 =	sadd.s32 $0x40, s5;
	(pc) =	sbr.rel @p0 .LBB2_2-.Ltmp0, $2  }
0xb8: {  	_ =	sdelay $0x2  }
0xb9: {  	s3 =	sadd.s32 $0x400, s3;
	s6 =	sadd.s32 s6, s24  }
0xba: {  	[hbm4b:s6+s8] =	stream.strided.scatter [tilespmem:s2], [sflag:$0x2], $0x400, s9, s8, $0x38;
	[tilespmem:$0x18200] =	vst v63  }
0xbb: {  	v6 =	vld.msk [tilespmem:$0x110], $0xff;
	_ =	sdelay $0x4  }
0xbc: {  	v7 =	vshll.u32 v6, $0x5  }
0xbd: {  	v6 =	vand.u32 $0x7, v6;
	v7 =	vand.u32 $0xFFFFFF00, v7  }
0xbe: {  	v6 =	vor.u32 v6, v7  }
0xbf: {  	v6 =	vperm.xlane v6, v4;
	_ =	sdelay $0x1  }
0xc0: {  	v6 =	vadd.s32 v5, v6;
	_ =	sdelay $0x3  }
0xc1: {  	s6 =	simm.s32 $0x0;
	s10 =	rddreg [dreg:$0x1];
	s3 =	simm.s32 $0x10200  }
0xc2: {  	[tilespmem:s3], [sflag:$0x1] =	stream.indirect_vreg.gather [hbm4b:s10+s6], $0x80, v6, vm3, $0xb8;
	[tilespmem:$0x18200] =	vst v63  }
0xc3: {  	s28 =	rddreg [dreg:$0x9];
	s29 =	simm.s32 $0x10A00  }
0xc4: {  	[tilespmem:s29], [sflag:$0x1] =	stream.indirect_vreg.gather [hbm4b:s28+s6], $0x80, v6, vm3, $0xb8;
	[tilespmem:$0x18200] =	vst v63  }
0xc5: {  	s5 =	simm.s32 $0x11200  }
0xc6: {  	[tilespmem:s5], [sflag:$0x1] =	stream.indirect_vreg.gather [hbm4b:s11+s6], $0x80, v6, vm3, $0xb8;
	[tilespmem:$0x18200] =	vst v63  }
0xc7: {  	s10 =	simm.s32 $0x11A00  }
0xc8: {  	[tilespmem:s10], [sflag:$0x1] =	stream.indirect_vreg.gather [hbm4b:s12+s6], $0x80, v6, vm3, $0xb8;
	[tilespmem:$0x18200] =	vst v63  }
0xc9: {  	s28 =	simm.s32 $0x12200  }
0xca: {  	[tilespmem:s28], [sflag:$0x1] =	stream.indirect_vreg.gather [hbm4b:s13+s6], $0x80, v6, vm3, $0xb8;
	[tilespmem:$0x18200] =	vst v63  }
0xcb: {  	s29 =	simm.s32 $0x12A00  }
0xcc: {  	[tilespmem:s29], [sflag:$0x1] =	stream.indirect_vreg.gather [hbm4b:s14+s6], $0x80, v6, vm3, $0xb8;
	[tilespmem:$0x18200] =	vst v63  }
0xcd: {  	s3 =	simm.s32 $0x13200  }
0xce: {  	[tilespmem:s3], [sflag:$0x1] =	stream.indirect_vreg.gather [hbm4b:s15+s6], $0x80, v6, vm3, $0xb8;
	[tilespmem:$0x18200] =	vst v63  }
0xcf: {  	s5 =	simm.s32 $0x13A00  }
0xd0: {  	[tilespmem:s5], [sflag:$0x1] =	stream.indirect_vreg.gather [hbm4b:s16+s6], $0x80, v6, vm3, $0xb8;
	[tilespmem:$0x18200] =	vst v63  }
0xd1: {  	s10 =	simm.s32 $0x14200  }
0xd2: {  	[tilespmem:s10], [sflag:$0x1] =	stream.indirect_vreg.gather [hbm4b:s17+s6], $0x80, v6, vm3, $0xb8;
	[tilespmem:$0x18200] =	vst v63  }
0xd3: {  	s28 =	simm.s32 $0x14A00  }
0xd4: {  	[tilespmem:s28], [sflag:$0x1] =	stream.indirect_vreg.gather [hbm4b:s18+s6], $0x80, v6, vm3, $0xb8;
	[tilespmem:$0x18200] =	vst v63  }
0xd5: {  	s29 =	simm.s32 $0x15200  }
0xd6: {  	[tilespmem:s29], [sflag:$0x1] =	stream.indirect_vreg.gather [hbm4b:s19+s6], $0x80, v6, vm3, $0xb8;
	[tilespmem:$0x18200] =	vst v63  }
0xd7: {  	s3 =	simm.s32 $0x15A00  }
0xd8: {  	[tilespmem:s3], [sflag:$0x1] =	stream.indirect_vreg.gather [hbm4b:s20+s6], $0x80, v6, vm3, $0xb8;
	[tilespmem:$0x18200] =	vst v63  }
0xd9: {  	s5 =	simm.s32 $0x16200  }
0xda: {  	[tilespmem:s5], [sflag:$0x1] =	stream.indirect_vreg.gather [hbm4b:s21+s6], $0x80, v6, vm3, $0xb8;
	[tilespmem:$0x18200] =	vst v63  }
0xdb: {  	s10 =	simm.s32 $0x16A00  }
0xdc: {  	[tilespmem:s10], [sflag:$0x1] =	stream.indirect_vreg.gather [hbm4b:s22+s6], $0x80, v6, vm3, $0xb8;
	[tilespmem:$0x18200] =	vst v63  }
0xdd: {  	s28 =	simm.s32 $0x17200  }
0xde: {  	[tilespmem:s28], [sflag:$0x1] =	stream.indirect_vreg.gather [hbm4b:s23+s6], $0x80, v6, vm3, $0xb8;
	[tilespmem:$0x18200] =	vst v63  }
0xdf: {  	s29 =	simm.s32 $0x17A00  }
0xe0: {  	[tilespmem:s29], [sflag:$0x1] =	stream.indirect_vreg.gather [hbm4b:s26+s6], $0x80, v6, vm3, $0xb8;
	[tilespmem:$0x18200] =	vst v63  }
.LBB2_4:
0xe1: {  	s5 =	smul.u32 $0x18, s6;
	_ =	swait.ge [sflag:s25], $0x8000  }
0xe2: {  	s2 =	rddreg [dreg:$0xb];
	[sflag:s25] =	ssyncset.done $0x0  }
0xe3: {  	s2 =	sadd.s32 s5, s2;
	[sflag:s25] =	ssyncadd.s32 $0xFFFF8000  }
0xe4: {  	s2 =	sshll.u32 s2, $0x9;
	s3 =	rddreg [dreg:$0x2]  }
0xe5: {  	s29 =	simm.s32 $0x8200;
	s28 =	sadd.s32 s3, s2  }
0xe6: {  	s3 =	simm.s32 $0x40;
	s2 =	simm.s32 $0x8600;
	s10 =	sadd.s32 $0x0, s28  }
.LBB2_5:
0xe7: {  	[hbm4b:s10+s8] =	stream.strided.scatter [tilespmem:s29], [sflag:$0x2], $0x400, s9, s8, $0x38;
	[tilespmem:$0x18200] =	vst v63  }
0xe8: {  	s10 =	smov.u32 s3;
	s29 =	smov.u32 s2;
	p0 =	sne.s32 s3, $0x7C0  }
.Ltmp1:
0xe9: {  	s3 =	sadd.s32 $0x40, s3;
	(pc) =	sbr.rel @p0 .LBB2_5-.Ltmp1, $2  }
0xea: {  	_ =	sdelay $0x2  }
0xeb: {  	s2 =	sadd.s32 $0x400, s2;
	s10 =	sadd.s32 s10, s28  }
0xec: {  	[hbm4b:s10+s8] =	stream.strided.scatter [tilespmem:s29], [sflag:$0x2], $0x400, s9, s8, $0x38;
	[tilespmem:$0x18200] =	vst v63  }
0xed: {  	_ =	swait.ge [sflag:s7], $0x8000  }
0xee: {  	[sflag:s7] =	ssyncset.done $0x0  }
0xef: {  	[sflag:s7] =	ssyncadd.s32 $0xFFFF8000  }
0xf0: {  	v6 =	vld.msk [tilespmem:s5+$0x118], $0xff;
	_ =	sdelay $0x4  }
0xf1: {  	v7 =	vshll.u32 v6, $0x5  }
0xf2: {  	v6 =	vand.u32 $0x7, v6;
	v7 =	vand.u32 $0xFFFFFF00, v7  }
0xf3: {  	v6 =	vor.u32 v6, v7  }
0xf4: {  	v6 =	vperm.xlane v6, v4;
	_ =	sdelay $0x1  }
0xf5: {  	v6 =	vadd.s32 v5, v6;
	_ =	sdelay $0x3  }
0xf6: {  	s2 =	simm.s32 $0x0;
	s3 =	rddreg [dreg:$0x1]  }
0xf7: {  	[tilespmem:s8], [sflag:$0x1] =	stream.indirect_vreg.gather [hbm4b:s3+s2], $0x80, v6, vm3, $0xb8;
	[tilespmem:$0x18200] =	vst v63  }
0xf8: {  	s10 =	simm.s32 $0xA00;
	s3 =	rddreg [dreg:$0x9]  }
0xf9: {  	[tilespmem:s10], [sflag:$0x1] =	stream.indirect_vreg.gather [hbm4b:s3+s2], $0x80, v6, vm3, $0xb8;
	[tilespmem:$0x18200] =	vst v63  }
0xfa: {  	s10 =	simm.s32 $0x1200  }
0xfb: {  	[tilespmem:s10], [sflag:$0x1] =	stream.indirect_vreg.gather [hbm4b:s11+s2], $0x80, v6, vm3, $0xb8;
	[tilespmem:$0x18200] =	vst v63  }
0xfc: {  	s10 =	simm.s32 $0x1A00  }
0xfd: {  	[tilespmem:s10], [sflag:$0x1] =	stream.indirect_vreg.gather [hbm4b:s12+s2], $0x80, v6, vm3, $0xb8;
	[tilespmem:$0x18200] =	vst v63  }
0xfe: {  	s10 =	simm.s32 $0x2200  }
0xff: {  	[tilespmem:s10], [sflag:$0x1] =	stream.indirect_vreg.gather [hbm4b:s13+s2], $0x80, v6, vm3, $0xb8;
	[tilespmem:$0x18200] =	vst v63  }
0x100: {  	s10 =	simm.s32 $0x2A00  }
0x101: {  	[tilespmem:s10], [sflag:$0x1] =	stream.indirect_vreg.gather [hbm4b:s14+s2], $0x80, v6, vm3, $0xb8;
	[tilespmem:$0x18200] =	vst v63  }
0x102: {  	s10 =	simm.s32 $0x3200  }
0x103: {  	[tilespmem:s10], [sflag:$0x1] =	stream.indirect_vreg.gather [hbm4b:s15+s2], $0x80, v6, vm3, $0xb8;
	[tilespmem:$0x18200] =	vst v63  }
0x104: {  	s10 =	simm.s32 $0x3A00  }
0x105: {  	[tilespmem:s10], [sflag:$0x1] =	stream.indirect_vreg.gather [hbm4b:s16+s2], $0x80, v6, vm3, $0xb8;
	[tilespmem:$0x18200] =	vst v63  }
0x106: {  	s10 =	simm.s32 $0x4200  }
0x107: {  	[tilespmem:s10], [sflag:$0x1] =	stream.indirect_vreg.gather [hbm4b:s17+s2], $0x80, v6, vm3, $0xb8;
	[tilespmem:$0x18200] =	vst v63  }
0x108: {  	s10 =	simm.s32 $0x4A00  }
0x109: {  	[tilespmem:s10], [sflag:$0x1] =	stream.indirect_vreg.gather [hbm4b:s18+s2], $0x80, v6, vm3, $0xb8;
	[tilespmem:$0x18200] =	vst v63  }
0x10a: {  	s10 =	simm.s32 $0x5200  }
0x10b: {  	[tilespmem:s10], [sflag:$0x1] =	stream.indirect_vreg.gather [hbm4b:s19+s2], $0x80, v6, vm3, $0xb8;
	[tilespmem:$0x18200] =	vst v63  }
0x10c: {  	s10 =	simm.s32 $0x5A00  }
0x10d: {  	[tilespmem:s10], [sflag:$0x1] =	stream.indirect_vreg.gather [hbm4b:s20+s2], $0x80, v6, vm3, $0xb8;
	[tilespmem:$0x18200] =	vst v63  }
0x10e: {  	s10 =	simm.s32 $0x6200  }
0x10f: {  	[tilespmem:s10], [sflag:$0x1] =	stream.indirect_vreg.gather [hbm4b:s21+s2], $0x80, v6, vm3, $0xb8;
	[tilespmem:$0x18200] =	vst v63  }
0x110: {  	s10 =	simm.s32 $0x6A00  }
0x111: {  	[tilespmem:s10], [sflag:$0x1] =	stream.indirect_vreg.gather [hbm4b:s22+s2], $0x80, v6, vm3, $0xb8;
	[tilespmem:$0x18200] =	vst v63  }
0x112: {  	s10 =	simm.s32 $0x7200  }
0x113: {  	[tilespmem:s10], [sflag:$0x1] =	stream.indirect_vreg.gather [hbm4b:s23+s2], $0x80, v6, vm3, $0xb8;
	[tilespmem:$0x18200] =	vst v63  }
0x114: {  	s10 =	simm.s32 $0x7A00  }
0x115: {  	[tilespmem:s10], [sflag:$0x1] =	stream.indirect_vreg.gather [hbm4b:s26+s2], $0x80, v6, vm3, $0xb8;
	[tilespmem:$0x18200] =	vst v63  }
0x116: {  	_ =	swait.ge [sflag:s25], $0x8000  }
0x117: {  	s3 =	rddreg [dreg:$0xc];
	[sflag:s25] =	ssyncset.done $0x0  }
0x118: {  	s2 =	sadd.s32 s5, s3;
	[sflag:s25] =	ssyncadd.s32 $0xFFFF8000  }
0x119: {  	s2 =	sshll.u32 s2, $0x9;
	s10 =	rddreg [dreg:$0x2]  }
0x11a: {  	s29 =	simm.s32 $0x10200;
	s5 =	sadd.s32 $0x18, s5;
	s28 =	sadd.s32 s10, s2  }
0x11b: {  	s3 =	simm.s32 $0x40;
	s2 =	simm.s32 $0x10600;
	s10 =	sadd.s32 $0x0, s28  }
.LBB2_7:
0x11c: {  	[hbm4b:s10+s8] =	stream.strided.scatter [tilespmem:s29], [sflag:$0x2], $0x400, s9, s8, $0x38;
	[tilespmem:$0x18200] =	vst v63  }
0x11d: {  	s10 =	smov.u32 s3;
	s29 =	smov.u32 s2;
	p0 =	sne.s32 s3, $0x7C0  }
.Ltmp2:
0x11e: {  	s3 =	sadd.s32 $0x40, s3;
	(pc) =	sbr.rel @p0 .LBB2_7-.Ltmp2, $2  }
0x11f: {  	_ =	sdelay $0x2  }
0x120: {  	s2 =	sadd.s32 $0x400, s2;
	s10 =	sadd.s32 s10, s28  }
0x121: {  	[hbm4b:s10+s8] =	stream.strided.scatter [tilespmem:s29], [sflag:$0x2], $0x400, s9, s8, $0x38;
	[tilespmem:$0x18200] =	vst v63  }
0x122: {  	s2 =	smul.u32 $0x60, s6;
	_ =	swait.ge [sflag:s7], $0x8000  }
0x123: {  	[sflag:s7] =	ssyncset.done $0x0  }
0x124: {  	s28 =	sshra.s32 s2, $0x2;
	[sflag:s7] =	ssyncadd.s32 $0xFFFF8000  }
0x125: {  	v6 =	vld.msk [tilespmem:s28+$0x120], $0xff;
	_ =	sdelay $0x4  }
0x126: {  	v7 =	vshll.u32 v6, $0x5  }
0x127: {  	v6 =	vand.u32 $0x7, v6;
	v7 =	vand.u32 $0xFFFFFF00, v7  }
0x128: {  	v6 =	vor.u32 v6, v7  }
0x129: {  	v6 =	vperm.xlane v6, v4;
	_ =	sdelay $0x1  }
0x12a: {  	v6 =	vadd.s32 v5, v6;
	_ =	sdelay $0x3  }
0x12b: {  	s10 =	simm.s32 $0x8200;
	s2 =	simm.s32 $0x0;
	s3 =	rddreg [dreg:$0x1]  }
0x12c: {  	[tilespmem:s10], [sflag:$0x1] =	stream.indirect_vreg.gather [hbm4b:s3+s2], $0x80, v6, vm3, $0xb8;
	[tilespmem:$0x18200] =	vst v63  }
0x12d: {  	s3 =	rddreg [dreg:$0x9];
	s10 =	simm.s32 $0x8A00  }
0x12e: {  	[tilespmem:s10], [sflag:$0x1] =	stream.indirect_vreg.gather [hbm4b:s3+s2], $0x80, v6, vm3, $0xb8;
	[tilespmem:$0x18200] =	vst v63  }
0x12f: {  	s10 =	simm.s32 $0x9200  }
0x130: {  	[tilespmem:s10], [sflag:$0x1] =	stream.indirect_vreg.gather [hbm4b:s11+s2], $0x80, v6, vm3, $0xb8;
	[tilespmem:$0x18200] =	vst v63  }
0x131: {  	s10 =	simm.s32 $0x9A00  }
0x132: {  	[tilespmem:s10], [sflag:$0x1] =	stream.indirect_vreg.gather [hbm4b:s12+s2], $0x80, v6, vm3, $0xb8;
	[tilespmem:$0x18200] =	vst v63  }
0x133: {  	s10 =	simm.s32 $0xA200  }
0x134: {  	[tilespmem:s10], [sflag:$0x1] =	stream.indirect_vreg.gather [hbm4b:s13+s2], $0x80, v6, vm3, $0xb8;
	[tilespmem:$0x18200] =	vst v63  }
0x135: {  	s10 =	simm.s32 $0xAA00  }
0x136: {  	[tilespmem:s10], [sflag:$0x1] =	stream.indirect_vreg.gather [hbm4b:s14+s2], $0x80, v6, vm3, $0xb8;
	[tilespmem:$0x18200] =	vst v63  }
0x137: {  	s10 =	simm.s32 $0xB200  }
0x138: {  	[tilespmem:s10], [sflag:$0x1] =	stream.indirect_vreg.gather [hbm4b:s15+s2], $0x80, v6, vm3, $0xb8;
	[tilespmem:$0x18200] =	vst v63  }
0x139: {  	s10 =	simm.s32 $0xBA00  }
0x13a: {  	[tilespmem:s10], [sflag:$0x1] =	stream.indirect_vreg.gather [hbm4b:s16+s2], $0x80, v6, vm3, $0xb8;
	[tilespmem:$0x18200] =	vst v63  }
0x13b: {  	s10 =	simm.s32 $0xC200  }
0x13c: {  	[tilespmem:s10], [sflag:$0x1] =	stream.indirect_vreg.gather [hbm4b:s17+s2], $0x80, v6, vm3, $0xb8;
	[tilespmem:$0x18200] =	vst v63  }
0x13d: {  	s10 =	simm.s32 $0xCA00  }
0x13e: {  	[tilespmem:s10], [sflag:$0x1] =	stream.indirect_vreg.gather [hbm4b:s18+s2], $0x80, v6, vm3, $0xb8;
	[tilespmem:$0x18200] =	vst v63  }
0x13f: {  	s10 =	simm.s32 $0xD200  }
0x140: {  	[tilespmem:s10], [sflag:$0x1] =	stream.indirect_vreg.gather [hbm4b:s19+s2], $0x80, v6, vm3, $0xb8;
	[tilespmem:$0x18200] =	vst v63  }
0x141: {  	s10 =	simm.s32 $0xDA00  }
0x142: {  	[tilespmem:s10], [sflag:$0x1] =	stream.indirect_vreg.gather [hbm4b:s20+s2], $0x80, v6, vm3, $0xb8;
	[tilespmem:$0x18200] =	vst v63  }
0x143: {  	s10 =	simm.s32 $0xE200  }
0x144: {  	[tilespmem:s10], [sflag:$0x1] =	stream.indirect_vreg.gather [hbm4b:s21+s2], $0x80, v6, vm3, $0xb8;
	[tilespmem:$0x18200] =	vst v63  }
0x145: {  	s10 =	simm.s32 $0xEA00  }
0x146: {  	[tilespmem:s10], [sflag:$0x1] =	stream.indirect_vreg.gather [hbm4b:s22+s2], $0x80, v6, vm3, $0xb8;
	[tilespmem:$0x18200] =	vst v63  }
0x147: {  	s10 =	simm.s32 $0xF200  }
0x148: {  	[tilespmem:s10], [sflag:$0x1] =	stream.indirect_vreg.gather [hbm4b:s23+s2], $0x80, v6, vm3, $0xb8;
	[tilespmem:$0x18200] =	vst v63  }
0x149: {  	s10 =	simm.s32 $0xFA00  }
0x14a: {  	[tilespmem:s10], [sflag:$0x1] =	stream.indirect_vreg.gather [hbm4b:s26+s2], $0x80, v6, vm3, $0xb8;
	[tilespmem:$0x18200] =	vst v63  }
0x14b: {  	_ =	swait.ge [sflag:s25], $0x8000  }
0x14c: {  	s3 =	rddreg [dreg:$0x4];
	[sflag:s25] =	ssyncset.done $0x0  }
0x14d: {  	s2 =	sadd.s32 s3, s5;
	[sflag:s25] =	ssyncadd.s32 $0xFFFF8000  }
0x14e: {  	s2 =	sshll.u32 s2, $0x9;
	s10 =	rddreg [dreg:$0x2]  }
0x14f: {  	s29 =	simm.s32 $0x200;
	s5 =	sadd.s32 s10, s2  }
0x150: {  	s3 =	simm.s32 $0x40;
	s2 =	simm.s32 $0x600;
	s10 =	sadd.s32 $0x0, s5  }
.LBB2_9:
0x151: {  	[hbm4b:s10+s8] =	stream.strided.scatter [tilespmem:s29], [sflag:$0x2], $0x400, s9, s8, $0x38;
	[tilespmem:$0x18200] =	vst v63  }
0x152: {  	s10 =	smov.u32 s3;
	s29 =	smov.u32 s2;
	p0 =	sne.s32 s3, $0x7C0  }
.Ltmp3:
0x153: {  	s3 =	sadd.s32 $0x40, s3;
	(pc) =	sbr.rel @p0 .LBB2_9-.Ltmp3, $2  }
0x154: {  	_ =	sdelay $0x2  }
0x155: {  	s2 =	sadd.s32 $0x400, s2;
	s10 =	sadd.s32 s10, s5  }
0x156: {  	[hbm4b:s10+s8] =	stream.strided.scatter [tilespmem:s29], [sflag:$0x2], $0x400, s9, s8, $0x38;
	[tilespmem:$0x18200] =	vst v63  }
0x157: {  	_ =	swait.ge [sflag:s7], $0x8000  }
0x158: {  	[sflag:s7] =	ssyncset.done $0x0  }
0x159: {  	[sflag:s7] =	ssyncadd.s32 $0xFFFF8000  }
0x15a: {  	v6 =	vld.msk [tilespmem:s28+$0x128], $0xff;
	_ =	sdelay $0x4  }
0x15b: {  	v7 =	vshll.u32 v6, $0x5  }
0x15c: {  	v6 =	vand.u32 $0x7, v6;
	v7 =	vand.u32 $0xFFFFFF00, v7  }
0x15d: {  	v6 =	vor.u32 v6, v7  }
0x15e: {  	v6 =	vperm.xlane v6, v4;
	_ =	sdelay $0x1  }
0x15f: {  	v6 =	vadd.s32 v5, v6;
	_ =	sdelay $0x3  }
0x160: {  	s3 =	simm.s32 $0x10200;
	s2 =	rddreg [dreg:$0x1]  }
0x161: {  	[tilespmem:s3], [sflag:$0x1] =	stream.indirect_vreg.gather [hbm4b:s2+s4], $0x80, v6, vm3, $0xb8;
	[tilespmem:$0x18200] =	vst v63  }
0x162: {  	s29 =	simm.s32 $0x10A00;
	s28 =	rddreg [dreg:$0x9]  }
0x163: {  	[tilespmem:s29], [sflag:$0x1] =	stream.indirect_vreg.gather [hbm4b:s28+s4], $0x80, v6, vm3, $0xb8;
	[tilespmem:$0x18200] =	vst v63  }
0x164: {  	s5 =	simm.s32 $0x11200  }
0x165: {  	[tilespmem:s5], [sflag:$0x1] =	stream.indirect_vreg.gather [hbm4b:s11+s4], $0x80, v6, vm3, $0xb8;
	[tilespmem:$0x18200] =	vst v63  }
0x166: {  	s10 =	simm.s32 $0x11A00  }
0x167: {  	[tilespmem:s10], [sflag:$0x1] =	stream.indirect_vreg.gather [hbm4b:s12+s4], $0x80, v6, vm3, $0xb8;
	[tilespmem:$0x18200] =	vst v63  }
0x168: {  	s28 =	simm.s32 $0x12200  }
0x169: {  	[tilespmem:s28], [sflag:$0x1] =	stream.indirect_vreg.gather [hbm4b:s13+s4], $0x80, v6, vm3, $0xb8;
	[tilespmem:$0x18200] =	vst v63  }
0x16a: {  	s29 =	simm.s32 $0x12A00  }
0x16b: {  	[tilespmem:s29], [sflag:$0x1] =	stream.indirect_vreg.gather [hbm4b:s14+s4], $0x80, v6, vm3, $0xb8;
	[tilespmem:$0x18200] =	vst v63  }
0x16c: {  	s3 =	simm.s32 $0x13200  }
0x16d: {  	[tilespmem:s3], [sflag:$0x1] =	stream.indirect_vreg.gather [hbm4b:s15+s4], $0x80, v6, vm3, $0xb8;
	[tilespmem:$0x18200] =	vst v63  }
0x16e: {  	s5 =	simm.s32 $0x13A00  }
0x16f: {  	[tilespmem:s5], [sflag:$0x1] =	stream.indirect_vreg.gather [hbm4b:s16+s4], $0x80, v6, vm3, $0xb8;
	[tilespmem:$0x18200] =	vst v63  }
0x170: {  	s10 =	simm.s32 $0x14200  }
0x171: {  	[tilespmem:s10], [sflag:$0x1] =	stream.indirect_vreg.gather [hbm4b:s17+s4], $0x80, v6, vm3, $0xb8;
	[tilespmem:$0x18200] =	vst v63  }
0x172: {  	s28 =	simm.s32 $0x14A00  }
0x173: {  	[tilespmem:s28], [sflag:$0x1] =	stream.indirect_vreg.gather [hbm4b:s18+s4], $0x80, v6, vm3, $0xb8;
	[tilespmem:$0x18200] =	vst v63  }
0x174: {  	s29 =	simm.s32 $0x15200  }
0x175: {  	[tilespmem:s29], [sflag:$0x1] =	stream.indirect_vreg.gather [hbm4b:s19+s4], $0x80, v6, vm3, $0xb8;
	[tilespmem:$0x18200] =	vst v63  }
0x176: {  	s3 =	simm.s32 $0x15A00  }
0x177: {  	[tilespmem:s3], [sflag:$0x1] =	stream.indirect_vreg.gather [hbm4b:s20+s4], $0x80, v6, vm3, $0xb8;
	[tilespmem:$0x18200] =	vst v63  }
0x178: {  	s6 =	sadd.s32 $0x1, s6;
	s5 =	simm.s32 $0x16200  }
0x179: {  	[tilespmem:s5], [sflag:$0x1] =	stream.indirect_vreg.gather [hbm4b:s21+s4], $0x80, v6, vm3, $0xb8;
	[tilespmem:$0x18200] =	vst v63  }
0x17a: {  	p0 =	sne.s32 s6, $0x9;
	s10 =	simm.s32 $0x16A00  }
0x17b: {  	[tilespmem:s10], [sflag:$0x1] =	stream.indirect_vreg.gather [hbm4b:s22+s4], $0x80, v6, vm3, $0xb8;
	[tilespmem:$0x18200] =	vst v63  }
.Ltmp4:
0x17c: {  	_ = 	snop;
	(pc) =	sbr.rel @p0 .LBB2_4-.Ltmp4, $4  }
0x17d: {  	s28 =	simm.s32 $0x17200  }
0x17e: {  	[tilespmem:s28], [sflag:$0x1] =	stream.indirect_vreg.gather [hbm4b:s23+s4], $0x80, v6, vm3, $0xb8;
	[tilespmem:$0x18200] =	vst v63  }
0x17f: {  	s29 =	simm.s32 $0x17A00  }
0x180: {  	[tilespmem:s29], [sflag:$0x1] =	stream.indirect_vreg.gather [hbm4b:s26+s4], $0x80, v6, vm3, $0xb8;
	[tilespmem:$0x18200] =	vst v63  }
0x181: {  	_ =	swait.ge [sflag:s25], $0x8000  }
0x182: {  	s5 =	simm.s32 $0x8200;
	s3 =	simm.s32 $0x40;
	[sflag:s25] =	ssyncset.done $0x0  }
0x183: {  	s6 =	sadd.s32 $0x0, s30;
	s2 =	simm.s32 $0x8600;
	[sflag:s25] =	ssyncadd.s32 $0xFFFF8000  }
.LBB2_12:
0x184: {  	[hbm4b:s6+s8] =	stream.strided.scatter [tilespmem:s5], [sflag:$0x2], $0x400, s9, s8, $0x38;
	[tilespmem:$0x18200] =	vst v63  }
0x185: {  	s6 =	smov.u32 s3;
	s5 =	smov.u32 s2;
	p0 =	sne.s32 s3, $0x7C0  }
.Ltmp5:
0x186: {  	s3 =	sadd.s32 $0x40, s3;
	(pc) =	sbr.rel @p0 .LBB2_12-.Ltmp5, $2  }
0x187: {  	_ =	sdelay $0x2  }
0x188: {  	s2 =	sadd.s32 $0x400, s2;
	s6 =	sadd.s32 s6, s30  }
0x189: {  	[hbm4b:s6+s8] =	stream.strided.scatter [tilespmem:s5], [sflag:$0x2], $0x400, s9, s8, $0x38;
	[tilespmem:$0x18200] =	vst v63  }
0x18a: {  	_ =	swait.ge [sflag:s7], $0x8000  }
0x18b: {  	[sflag:s7] =	ssyncset.done $0x0  }
0x18c: {  	[sflag:s7] =	ssyncadd.s32 $0xFFFF8000  }
0x18d: {  	v6 =	vld.msk [tilespmem:$0x1F0], $0xff;
	_ =	sdelay $0x4  }
0x18e: {  	v7 =	vshll.u32 v6, $0x5  }
0x18f: {  	v6 =	vand.u32 $0x7, v6;
	v7 =	vand.u32 $0xFFFFFF00, v7  }
0x190: {  	v6 =	vor.u32 v6, v7  }
0x191: {  	v6 =	vperm.xlane v6, v4;
	_ =	sdelay $0x1  }
0x192: {  	v6 =	vadd.s32 v5, v6;
	_ =	sdelay $0x3  }
0x193: {  	s2 =	simm.s32 $0x0;
	s3 =	rddreg [dreg:$0x1]  }
0x194: {  	[tilespmem:s8], [sflag:$0x1] =	stream.indirect_vreg.gather [hbm4b:s3+s2], $0x80, v6, vm3, $0xb8;
	[tilespmem:$0x18200] =	vst v63  }
0x195: {  	s29 =	simm.s32 $0xA00;
	s28 =	rddreg [dreg:$0x9]  }
0x196: {  	[tilespmem:s29], [sflag:$0x1] =	stream.indirect_vreg.gather [hbm4b:s28+s2], $0x80, v6, vm3, $0xb8;
	[tilespmem:$0x18200] =	vst v63  }
0x197: {  	s6 =	simm.s32 $0x1200  }
0x198: {  	[tilespmem:s6], [sflag:$0x1] =	stream.indirect_vreg.gather [hbm4b:s11+s2], $0x80, v6, vm3, $0xb8;
	[tilespmem:$0x18200] =	vst v63  }
0x199: {  	s10 =	simm.s32 $0x1A00  }
0x19a: {  	[tilespmem:s10], [sflag:$0x1] =	stream.indirect_vreg.gather [hbm4b:s12+s2], $0x80, v6, vm3, $0xb8;
	[tilespmem:$0x18200] =	vst v63  }
0x19b: {  	s28 =	simm.s32 $0x2200  }
0x19c: {  	[tilespmem:s28], [sflag:$0x1] =	stream.indirect_vreg.gather [hbm4b:s13+s2], $0x80, v6, vm3, $0xb8;
	[tilespmem:$0x18200] =	vst v63  }
0x19d: {  	s29 =	simm.s32 $0x2A00  }
0x19e: {  	[tilespmem:s29], [sflag:$0x1] =	stream.indirect_vreg.gather [hbm4b:s14+s2], $0x80, v6, vm3, $0xb8;
	[tilespmem:$0x18200] =	vst v63  }
0x19f: {  	s5 =	simm.s32 $0x3200  }
0x1a0: {  	[tilespmem:s5], [sflag:$0x1] =	stream.indirect_vreg.gather [hbm4b:s15+s2], $0x80, v6, vm3, $0xb8;
	[tilespmem:$0x18200] =	vst v63  }
0x1a1: {  	s6 =	simm.s32 $0x3A00  }
0x1a2: {  	[tilespmem:s6], [sflag:$0x1] =	stream.indirect_vreg.gather [hbm4b:s16+s2], $0x80, v6, vm3, $0xb8;
	[tilespmem:$0x18200] =	vst v63  }
0x1a3: {  	s10 =	simm.s32 $0x4200  }
0x1a4: {  	[tilespmem:s10], [sflag:$0x1] =	stream.indirect_vreg.gather [hbm4b:s17+s2], $0x80, v6, vm3, $0xb8;
	[tilespmem:$0x18200] =	vst v63  }
0x1a5: {  	s28 =	simm.s32 $0x4A00  }
0x1a6: {  	[tilespmem:s28], [sflag:$0x1] =	stream.indirect_vreg.gather [hbm4b:s18+s2], $0x80, v6, vm3, $0xb8;
	[tilespmem:$0x18200] =	vst v63  }
0x1a7: {  	s29 =	simm.s32 $0x5200  }
0x1a8: {  	[tilespmem:s29], [sflag:$0x1] =	stream.indirect_vreg.gather [hbm4b:s19+s2], $0x80, v6, vm3, $0xb8;
	[tilespmem:$0x18200] =	vst v63  }
0x1a9: {  	s5 =	simm.s32 $0x5A00  }
0x1aa: {  	[tilespmem:s5], [sflag:$0x1] =	stream.indirect_vreg.gather [hbm4b:s20+s2], $0x80, v6, vm3, $0xb8;
	[tilespmem:$0x18200] =	vst v63  }
0x1ab: {  	s6 =	simm.s32 $0x6200  }
0x1ac: {  	[tilespmem:s6], [sflag:$0x1] =	stream.indirect_vreg.gather [hbm4b:s21+s2], $0x80, v6, vm3, $0xb8;
	[tilespmem:$0x18200] =	vst v63  }
0x1ad: {  	s10 =	simm.s32 $0x6A00  }
0x1ae: {  	[tilespmem:s10], [sflag:$0x1] =	stream.indirect_vreg.gather [hbm4b:s22+s2], $0x80, v6, vm3, $0xb8;
	[tilespmem:$0x18200] =	vst v63  }
0x1af: {  	s28 =	simm.s32 $0x7200  }
0x1b0: {  	[tilespmem:s28], [sflag:$0x1] =	stream.indirect_vreg.gather [hbm4b:s23+s2], $0x80, v6, vm3, $0xb8;
	[tilespmem:$0x18200] =	vst v63  }
0x1b1: {  	s29 =	simm.s32 $0x7A00  }
0x1b2: {  	[tilespmem:s29], [sflag:$0x1] =	stream.indirect_vreg.gather [hbm4b:s26+s2], $0x80, v6, vm3, $0xb8;
	[tilespmem:$0x18200] =	vst v63  }
0x1b3: {  	_ =	swait.ge [sflag:s25], $0x8000  }
0x1b4: {  	s3 =	simm.s32 $0x40;
	s5 =	simm.s32 $0x10200;
	[sflag:s25] =	ssyncset.done $0x0  }
0x1b5: {  	s6 =	sadd.s32 $0x0, s31;
	s2 =	simm.s32 $0x10600;
	[sflag:s25] =	ssyncadd.s32 $0xFFFF8000  }
.LBB2_14:
0x1b6: {  	[hbm4b:s6+s8] =	stream.strided.scatter [tilespmem:s5], [sflag:$0x2], $0x400, s9, s8, $0x38;
	[tilespmem:$0x18200] =	vst v63  }
0x1b7: {  	s6 =	smov.u32 s3;
	s5 =	smov.u32 s2;
	p0 =	sne.s32 s3, $0x7C0  }
.Ltmp6:
0x1b8: {  	s3 =	sadd.s32 $0x40, s3;
	(pc) =	sbr.rel @p0 .LBB2_14-.Ltmp6, $2  }
0x1b9: {  	_ =	sdelay $0x2  }
0x1ba: {  	s2 =	sadd.s32 $0x400, s2;
	s6 =	sadd.s32 s6, s31  }
0x1bb: {  	[hbm4b:s6+s8] =	stream.strided.scatter [tilespmem:s5], [sflag:$0x2], $0x400, s9, s8, $0x38;
	[tilespmem:$0x18200] =	vst v63  }
0x1bc: {  	_ =	swait.ge [sflag:s7], $0x8000  }
0x1bd: {  	[sflag:s7] =	ssyncset.done $0x0  }
0x1be: {  	[sflag:s7] =	ssyncadd.s32 $0xFFFF8000  }
0x1bf: {  	v6 =	vld.msk [tilespmem:$0x1F8], $0xff;
	_ =	sdelay $0x4  }
0x1c0: {  	v7 =	vshll.u32 v6, $0x5  }
0x1c1: {  	v6 =	vand.u32 $0x7, v6;
	v7 =	vand.u32 $0xFFFFFF00, v7  }
0x1c2: {  	v6 =	vor.u32 v6, v7  }
0x1c3: {  	v6 =	vperm.xlane v6, v4;
	_ =	sdelay $0x1  }
0x1c4: {  	v6 =	vadd.s32 v5, v6;
	_ =	sdelay $0x3  }
0x1c5: {  	s2 =	simm.s32 $0x0;
	s10 =	simm.s32 $0x8200;
	s3 =	rddreg [dreg:$0x1]  }
0x1c6: {  	[tilespmem:s10], [sflag:$0x1] =	stream.indirect_vreg.gather [hbm4b:s3+s2], $0x80, v6, vm3, $0xb8;
	[tilespmem:$0x18200] =	vst v63  }
0x1c7: {  	s29 =	simm.s32 $0x8A00;
	s28 =	rddreg [dreg:$0x9]  }
0x1c8: {  	[tilespmem:s29], [sflag:$0x1] =	stream.indirect_vreg.gather [hbm4b:s28+s2], $0x80, v6, vm3, $0xb8;
	[tilespmem:$0x18200] =	vst v63  }
0x1c9: {  	s6 =	simm.s32 $0x9200  }
0x1ca: {  	[tilespmem:s6], [sflag:$0x1] =	stream.indirect_vreg.gather [hbm4b:s11+s2], $0x80, v6, vm3, $0xb8;
	[tilespmem:$0x18200] =	vst v63  }
0x1cb: {  	s10 =	simm.s32 $0x9A00  }
0x1cc: {  	[tilespmem:s10], [sflag:$0x1] =	stream.indirect_vreg.gather [hbm4b:s12+s2], $0x80, v6, vm3, $0xb8;
	[tilespmem:$0x18200] =	vst v63  }
0x1cd: {  	s28 =	simm.s32 $0xA200  }
0x1ce: {  	[tilespmem:s28], [sflag:$0x1] =	stream.indirect_vreg.gather [hbm4b:s13+s2], $0x80, v6, vm3, $0xb8;
	[tilespmem:$0x18200] =	vst v63  }
0x1cf: {  	s29 =	simm.s32 $0xAA00  }
0x1d0: {  	[tilespmem:s29], [sflag:$0x1] =	stream.indirect_vreg.gather [hbm4b:s14+s2], $0x80, v6, vm3, $0xb8;
	[tilespmem:$0x18200] =	vst v63  }
0x1d1: {  	s5 =	simm.s32 $0xB200  }
0x1d2: {  	[tilespmem:s5], [sflag:$0x1] =	stream.indirect_vreg.gather [hbm4b:s15+s2], $0x80, v6, vm3, $0xb8;
	[tilespmem:$0x18200] =	vst v63  }
0x1d3: {  	s6 =	simm.s32 $0xBA00  }
0x1d4: {  	[tilespmem:s6], [sflag:$0x1] =	stream.indirect_vreg.gather [hbm4b:s16+s2], $0x80, v6, vm3, $0xb8;
	[tilespmem:$0x18200] =	vst v63  }
0x1d5: {  	s10 =	simm.s32 $0xC200  }
0x1d6: {  	[tilespmem:s10], [sflag:$0x1] =	stream.indirect_vreg.gather [hbm4b:s17+s2], $0x80, v6, vm3, $0xb8;
	[tilespmem:$0x18200] =	vst v63  }
0x1d7: {  	s28 =	simm.s32 $0xCA00  }
0x1d8: {  	[tilespmem:s28], [sflag:$0x1] =	stream.indirect_vreg.gather [hbm4b:s18+s2], $0x80, v6, vm3, $0xb8;
	[tilespmem:$0x18200] =	vst v63  }
0x1d9: {  	s29 =	simm.s32 $0xD200  }
0x1da: {  	[tilespmem:s29], [sflag:$0x1] =	stream.indirect_vreg.gather [hbm4b:s19+s2], $0x80, v6, vm3, $0xb8;
	[tilespmem:$0x18200] =	vst v63  }
0x1db: {  	s5 =	simm.s32 $0xDA00  }
0x1dc: {  	[tilespmem:s5], [sflag:$0x1] =	stream.indirect_vreg.gather [hbm4b:s20+s2], $0x80, v6, vm3, $0xb8;
	[tilespmem:$0x18200] =	vst v63  }
0x1dd: {  	s6 =	simm.s32 $0xE200  }
0x1de: {  	[tilespmem:s6], [sflag:$0x1] =	stream.indirect_vreg.gather [hbm4b:s21+s2], $0x80, v6, vm3, $0xb8;
	[tilespmem:$0x18200] =	vst v63  }
0x1df: {  	s10 =	simm.s32 $0xEA00  }
0x1e0: {  	[tilespmem:s10], [sflag:$0x1] =	stream.indirect_vreg.gather [hbm4b:s22+s2], $0x80, v6, vm3, $0xb8;
	[tilespmem:$0x18200] =	vst v63  }
0x1e1: {  	s28 =	simm.s32 $0xF200  }
0x1e2: {  	[tilespmem:s28], [sflag:$0x1] =	stream.indirect_vreg.gather [hbm4b:s23+s2], $0x80, v6, vm3, $0xb8;
	[tilespmem:$0x18200] =	vst v63  }
0x1e3: {  	s29 =	simm.s32 $0xFA00  }
0x1e4: {  	[tilespmem:s29], [sflag:$0x1] =	stream.indirect_vreg.gather [hbm4b:s26+s2], $0x80, v6, vm3, $0xb8;
	[tilespmem:$0x18200] =	vst v63  }
0x1e5: {  	_ =	swait.ge [sflag:s25], $0x8000  }
0x1e6: {  	s3 =	simm.s32 $0x40;
	s5 =	simm.s32 $0x200;
	[sflag:s25] =	ssyncset.done $0x0  }
0x1e7: {  	s6 =	sadd.s32 $0x0, s1;
	s2 =	simm.s32 $0x600;
	[sflag:s25] =	ssyncadd.s32 $0xFFFF8000  }
.LBB2_16:
0x1e8: {  	[hbm4b:s6+s8] =	stream.strided.scatter [tilespmem:s5], [sflag:$0x2], $0x400, s9, s8, $0x38;
	[tilespmem:$0x18200] =	vst v63  }
0x1e9: {  	s6 =	smov.u32 s3;
	s5 =	smov.u32 s2;
	p0 =	sne.s32 s3, $0x7C0  }
.Ltmp7:
0x1ea: {  	s3 =	sadd.s32 $0x40, s3;
	(pc) =	sbr.rel @p0 .LBB2_16-.Ltmp7, $2  }
0x1eb: {  	_ =	sdelay $0x2  }
0x1ec: {  	s2 =	sadd.s32 $0x400, s2;
	s6 =	sadd.s32 s6, s1  }
0x1ed: {  	[hbm4b:s6+s8] =	stream.strided.scatter [tilespmem:s5], [sflag:$0x2], $0x400, s9, s8, $0x38;
	[tilespmem:$0x18200] =	vst v63  }
0x1ee: {  	_ =	swait.ge [sflag:s7], $0x8000  }
0x1ef: {  	[sflag:s7] =	ssyncset.done $0x0  }
0x1f0: {  	[sflag:s7] =	ssyncadd.s32 $0xFFFF8000  }
0x1f1: {  	_ =	swait.ge [sflag:s25], $0x8000  }
0x1f2: {  	s5 =	simm.s32 $0x8200;
	s3 =	simm.s32 $0x40;
	[sflag:s25] =	ssyncset.done $0x0  }
0x1f3: {  	s6 =	sadd.s32 $0x0, s0;
	s2 =	simm.s32 $0x8600;
	[sflag:s25] =	ssyncadd.s32 $0xFFFF8000  }
.LBB2_18:
0x1f4: {  	[hbm4b:s6+s8] =	stream.strided.scatter [tilespmem:s5], [sflag:$0x2], $0x400, s9, s8, $0x38;
	[tilespmem:$0x18200] =	vst v63  }
0x1f5: {  	s6 =	smov.u32 s3;
	s5 =	smov.u32 s2;
	p0 =	sne.s32 s3, $0x7C0  }
.Ltmp8:
0x1f6: {  	s3 =	sadd.s32 $0x40, s3;
	(pc) =	sbr.rel @p0 .LBB2_18-.Ltmp8, $2  }
0x1f7: {  	_ =	sdelay $0x2  }
0x1f8: {  	s2 =	sadd.s32 $0x400, s2;
	s6 =	sadd.s32 s6, s0  }
0x1f9: {  	[hbm4b:s6+s8] =	stream.strided.scatter [tilespmem:s5], [sflag:$0x2], $0x400, s9, s8, $0x38;
	[tilespmem:$0x18200] =	vst v63  }
0x1fa: {  	_ =	swait.ge [sflag:s7], $0x8000  }
0x1fb: {  	[sflag:s7] =	ssyncset.done $0x0  }
0x1fc: {  	[sflag:s7] =	ssyncadd.s32 $0xFFFF8000  }
0x1fd: {  	_ =	swait.ge [sflag:s7], $0x8000  }
0x1fe: {  	s3 =	rddreg [dreg:$0xd]  }
0x1ff: {  	s2 =	rddreg [dreg:$0xa];
	s3 =	sadd.s32 $0x1, s3  }
0x200: {  	p0 =	sne.s32 s3, s2  }
.Ltmp9:
0x201: {  	_ = 	snop;
	(pc) =	sbr.rel @p0 .LBB2_1-.Ltmp9, $3  }
0x202: {  	_ =	sdelay $0x1  }
0x203: {  	[sflag:s7] =	ssyncset.done $0x0  }
0x204: {  	[sflag:s7] =	ssyncadd.s32 $0xFFFF8000  }
0x205: {  	_ =	sfence.sel $0x180000  }
0x206: {  	[bflag:$0x0] =	sbarrier.arrive $0xFFFF  }
0x207: {  	_ =	strace $0x90000047  }
0x208: {  	s0 =	stileid.u32;
	[bflag:$0x2] =	sbarrier.arrive $0xFFFF  }
0x209: {  	p0 =	sne.s32 s0, $0x0;
	s0 =	rddreg [dreg:$0x3]  }
0x20a: {  	s0 =	sadd.s32 @!p0 $0x100000, s0  }
0x20b: {  	[sflag:s0] =	ssyncadd.tile.s32 @!p0 $0x1;
	_ =	shalt  }
.Lfunc_end2:
_tile_overlayer_lowered:
.L_overlay_start_2:
0x20c: {  	(tag) =	ssettag $0x2  }
0x20d: {  	s0 =	rddreg [dreg:$0x0];
	s2 =	stileid.u32  }
0x20e: {  	s1 =	rddreg [dreg:$0x1];
	p0 =	sne.s32 s2, $0x0  }
0x20f: {  	s3 =	rddreg [dreg:$0x2];
	[bflag:$0x3] =	sbarrier.arrive $0xFFFF;
	s2 =	simm.s32 @!p0 $0x1C03  }
0x210: {  	[timem:s3], [sflag:s2] =	dma.local @!p0 [hbm:s0], s1  }
0x211: {  	s0 =	simm.s32 @!p0 $0x3  }
0x212: {  	_ =	swait.ge @!p0 [sflag:s0], s1  }
0x213: {  	s1 =	ssub.s32 @!p0 $0x0, s1;
	[sflag:s0] =	ssyncset.done @!p0 $0x0  }
0x214: {  	[sflag:s0] =	ssyncadd.s32 @!p0 s1  }
0x215: {  	[bflag:$0x3] =	sbarrier.arrive $0xFFFF  }
0x216: {  	_ =	shalt  }

</sc_bundles>
